<compile_context>
chip_gen: v7x
topology: tpu7x:2x2x1
jax: 0.10.2.dev20260603
libtpu: 0.0.44.dev20260713+nightly
codegen_flags: <defaults>
</compile_context>

<pallas_src>
import functools

import jax
import jax.numpy as jnp
from jax import lax
from jax.experimental import pallas as pl
from jax.experimental.pallas import tpu as pltpu
from jax.experimental.pallas import tpu_sc as plsc


def _make_gather_t(V, D, B):
    info = plsc.get_sparse_core_info()
    NC, NS, L = info.num_cores, info.num_subcores, info.num_lanes
    NW = NC * NS
    assert D % NW == 0 and B % L == 0
    c_per_w = D // NW
    CHUNK = 4096
    UNROLL = 8
    assert B % CHUNK == 0 and CHUNK % (L * UNROLL) == 0
    n_chunks = B // CHUNK
    mesh = plsc.VectorSubcoreMesh(core_axis_name="c", subcore_axis_name="s")

    @functools.partial(
        pl.kernel,
        mesh=mesh,
        out_type=jax.ShapeDtypeStruct((D, B), jnp.float32),
        scratch_types=[
            pltpu.VMEM((B,), jnp.int32),
            pltpu.VMEM((V,), jnp.float32),
            pltpu.VMEM((CHUNK,), jnp.float32),
            pltpu.VMEM((CHUNK,), jnp.float32),
            pltpu.SemaphoreType.DMA,
            pltpu.SemaphoreType.DMA,
            pltpu.SemaphoreType.DMA,
            pltpu.SemaphoreType.DMA,
        ],
        compiler_params=pltpu.CompilerParams(needs_layout_passes=False),
    )
    def gather_kernel(tt_hbm, idx_hbm, out_hbm, idx_v, row_v, res0_v, res1_v,
                      sem_i, sem_r, sem_w0, sem_w1):
        wid = lax.axis_index("s") * NC + lax.axis_index("c")
        res_bufs = (res0_v, res1_v)
        sem_w = (sem_w0, sem_w1)

        with jax.named_scope("stage_idx_row0"):
            cp_row0 = pltpu.async_copy(tt_hbm.at[wid * c_per_w], row_v, sem_r)
            cp_idx = pltpu.async_copy(idx_hbm, idx_v, sem_i)
            cp_idx.wait()
            cp_row0.wait()

        pending = {0: None, 1: None}
        for cc in range(c_per_w):
            c = wid * c_per_w + cc
            if cc > 0:
                with jax.named_scope("stage_row1"):
                    pltpu.async_copy(tt_hbm.at[c], row_v, sem_r).wait()

            for k in range(n_chunks):
                par = k % 2
                res_v = res_bufs[par]
                if pending[par] is not None:
                    pending[par].wait()

                with jax.named_scope(f"gather_c{cc}k{k}"):
                    @plsc.parallel_loop(0, CHUNK // L, unroll=UNROLL)
                    def gather_chunk(g, k=k, res_v=res_v):
                        idxv = idx_v[pl.ds(k * CHUNK + g * L, L)]
                        res_v[pl.ds(g * L, L)] = plsc.load_gather(row_v, [idxv])
                pending[par] = pltpu.async_copy(
                    res_v, out_hbm.at[c, pl.ds(k * CHUNK, CHUNK)], sem_w[par]
                )
        for cp in pending.values():
            if cp is not None:
                cp.wait()

    return gather_kernel


def kernel(x, table):
    B, = x.shape
    V, D = table.shape
    tt = jnp.swapaxes(table, 0, 1)
    out_t = _make_gather_t(V, D, B)(tt, x.astype(jnp.int32))
    return jnp.swapaxes(out_t, 0, 1)

# --- scband reference (transcript-rebuilt; emitter-appended) ---
"""Pipeline reference for scband-class-embedder-68075231642203 (READ-ONLY COPY).

The authoritative reference and input builder live on the scoring server;
editing this copy changes nothing except your own understanding.
"""

import jax, jax.numpy as jnp
import numpy as np

N_CLASSES = 100000
EMBED_DIM = 64
BATCH = 16384

def setup_inputs(seed: int = 0) -> dict:
    key = jax.random.key(seed)
    k_idx, k_tab = jax.random.split(key)
    x = jax.random.randint(k_idx, (BATCH,), 0, N_CLASSES, dtype=jnp.int64 if jax.config.jax_enable_x64 else jnp.int32)
    table = jax.random.normal(k_tab, (N_CLASSES + 1, EMBED_DIM), dtype=jnp.float32)
    return {"x": x, "table": table}

def reference(x, table):
    # Eval-mode forward of ClassEmbedder: plain embedding lookup.
    # (cond_drop_rate branch only applies in training mode; the null
    #  token row n_classes exists in the table but is not selected.)
    return jnp.take(table, x, axis=0)

if __name__ == "__main__":
    import jax
    _d = setup_inputs()
    print(jax.jit(kernel)(*tuple(_d.values())))

</pallas_src>

<mosaic_0001>
#map = affine_map<(d0, d1) -> (0, 0)>
#map1 = affine_map<(d0, d1) -> (0)>
module attributes {stable_mosaic.version = 14 : i64} {
  func.func @gather_kernel(%arg0: i32, %arg1: i32, %arg2: memref<64x100001xf32, #tpu.memory_space<hbm>>, %arg3: memref<16384xi32, #tpu.memory_space<hbm>>, %arg4: memref<64x16384xf32, #tpu.memory_space<hbm>>, %arg5: memref<16384xi32, #tpu.memory_space<vmem>>, %arg6: memref<100001xf32, #tpu.memory_space<vmem>>, %arg7: memref<4096xf32, #tpu.memory_space<vmem>>, %arg8: memref<4096xf32, #tpu.memory_space<vmem>>, %arg9: memref<!tpu.dma_semaphore, #tpu.memory_space<semaphore_mem>>, %arg10: memref<!tpu.dma_semaphore, #tpu.memory_space<semaphore_mem>>, %arg11: memref<!tpu.dma_semaphore, #tpu.memory_space<semaphore_mem>>, %arg12: memref<!tpu.dma_semaphore, #tpu.memory_space<semaphore_mem>>) attributes {dimension_semantics = [#tpu.dimension_semantics<core_parallel>, #tpu.dimension_semantics<subcore_parallel>], iteration_bounds = array<i64: 2, 16>, scalar_prefetch = 0 : i64, scratch_operands = 8 : i64, tpu.core_type = #tpu.core_type<sc_vector_subcore>, window_params = [{transform_indices = #map}, {transform_indices = #map1}, {transform_indices = #map}]} {
    %mul3A = arith.constant 2 : i32
    %mul3A_0 = arith.muli %arg1, %mul3A : i32
    %add3A = arith.addi %mul3A_0, %arg0 : i32
    "tpu.trace_start"() <{level = 10 : i32, message = "stage_idx_row0"}> : () -> ()
    %mul3A_1 = arith.constant 2 : i32
    %mul3A_2 = arith.muli %add3A, %mul3A_1 : i32
    %dma_start3A = arith.constant 0 : i32
    %dma_start3A_3 = tpu.memref_slice %arg2[%mul3A_2, %dma_start3A] : memref<64x100001xf32, #tpu.memory_space<hbm>> -> memref<1x100001xf32, #tpu.memory_space<hbm>>
    %dma_start3A_4 = tpu.memref_squeeze %dma_start3A_3 : memref<1x100001xf32, #tpu.memory_space<hbm>> -> memref<100001xf32, #tpu.memory_space<hbm>>
    %dma_start3A_5 = arith.constant 0 : i32
    %dma_start3A_6 = tpu.memref_slice %arg2[%mul3A_2, %dma_start3A_5] : memref<64x100001xf32, #tpu.memory_space<hbm>> -> memref<1x100001xf32, #tpu.memory_space<hbm>>
    %dma_start3A_7 = tpu.memref_squeeze %dma_start3A_6 : memref<1x100001xf32, #tpu.memory_space<hbm>> -> memref<100001xf32, #tpu.memory_space<hbm>>
    tpu.enqueue_dma source(%dma_start3A_7 : memref<100001xf32, #tpu.memory_space<hbm>>) target(%arg6 : memref<100001xf32, #tpu.memory_space<vmem>>) target_semaphore(%arg10 : memref<!tpu.dma_semaphore, #tpu.memory_space<semaphore_mem>>)
    tpu.enqueue_dma source(%arg3 : memref<16384xi32, #tpu.memory_space<hbm>>) target(%arg5 : memref<16384xi32, #tpu.memory_space<vmem>>) target_semaphore(%arg9 : memref<!tpu.dma_semaphore, #tpu.memory_space<semaphore_mem>>)
    tpu.wait_dma2 semaphore(%arg9 : memref<!tpu.dma_semaphore, #tpu.memory_space<semaphore_mem>>) src(%arg3 : memref<16384xi32, #tpu.memory_space<hbm>>) dst(%arg5 : memref<16384xi32, #tpu.memory_space<vmem>>)
    %dma_wait3A = arith.constant 0 : i32
    %dma_wait3A_8 = tpu.memref_slice %arg2[%mul3A_2, %dma_wait3A] : memref<64x100001xf32, #tpu.memory_space<hbm>> -> memref<1x100001xf32, #tpu.memory_space<hbm>>
    %dma_wait3A_9 = tpu.memref_squeeze %dma_wait3A_8 : memref<1x100001xf32, #tpu.memory_space<hbm>> -> memref<100001xf32, #tpu.memory_space<hbm>>
    %dma_wait3A_10 = arith.constant 0 : i32
    %dma_wait3A_11 = tpu.memref_slice %arg2[%mul3A_2, %dma_wait3A_10] : memref<64x100001xf32, #tpu.memory_space<hbm>> -> memref<1x100001xf32, #tpu.memory_space<hbm>>
    %dma_wait3A_12 = tpu.memref_squeeze %dma_wait3A_11 : memref<1x100001xf32, #tpu.memory_space<hbm>> -> memref<100001xf32, #tpu.memory_space<hbm>>
    tpu.wait_dma2 semaphore(%arg10 : memref<!tpu.dma_semaphore, #tpu.memory_space<semaphore_mem>>) src(%dma_wait3A_12 : memref<100001xf32, #tpu.memory_space<hbm>>) dst(%arg6 : memref<100001xf32, #tpu.memory_space<vmem>>)
    "tpu.trace_stop"() : () -> ()
    %mul3A_13 = arith.constant 2 : i32
    %mul3A_14 = arith.muli %add3A, %mul3A_13 : i32
    %add3A_15 = arith.constant 0 : i32
    %add3A_16 = arith.addi %mul3A_14, %add3A_15 : i32
    %parallel_loop3A = arith.constant 0 : i32
    %parallel_loop3A_17 = arith.constant 256 : i32
    %parallel_loop3A_18 = arith.constant 1 : i32
    "tpu.trace_start"() <{level = 10 : i32, message = "gather_c0k0"}> : () -> ()
    scf.for %parallel_loop3A_152 = %parallel_loop3A to %parallel_loop3A_17 step %parallel_loop3A_18  : i32 {
      %parallel_loop3A_153 = arith.constant 16 : i32
      %parallel_loop3A_154 = arith.muli %parallel_loop3A_152, %parallel_loop3A_153 : i32
      %parallel_loop3A_155 = arith.constant 0 : i32
      %parallel_loop3A_156 = arith.addi %parallel_loop3A_155, %parallel_loop3A_154 : i32
      %parallel_loop3A_157 = arith.index_cast %parallel_loop3A_156 : i32 to index
      %parallel_loop3A_158 = tpu.vector_load %arg5[%parallel_loop3A_157] {strides = array<i32>} : memref<16384xi32, #tpu.memory_space<vmem>>, vector<16xi32>,
      %parallel_loop3A_159 = tpu.vector_load_idx %arg6[%parallel_loop3A_158] : memref<100001xf32, #tpu.memory_space<vmem>>[vector<16xi32>], vector<16xf32>,
      %parallel_loop3A_160 = arith.constant 16 : i32
      %parallel_loop3A_161 = arith.muli %parallel_loop3A_152, %parallel_loop3A_160 : i32
      %parallel_loop3A_162 = arith.index_cast %parallel_loop3A_161 : i32 to index
      %parallel_loop3A_163 = tpu.vector_load %arg7[%parallel_loop3A_162] {strides = array<i32>} : memref<4096xf32, #tpu.memory_space<vmem>>, vector<16xf32>,
      tpu.vector_store %arg7[%parallel_loop3A_162], %parallel_loop3A_159 {strides = array<i32>} : memref<4096xf32, #tpu.memory_space<vmem>>, vector<16xf32>,
    } {sc.loop_unroll_factor = 8 : i64, sc.parallel_access}
    "tpu.trace_stop"() : () -> ()
    %dma_start3A_19 = arith.constant 0 : i32
    %dma_start3A_20 = tpu.memref_slice %arg4[%add3A_16, %dma_start3A_19] : memref<64x16384xf32, #tpu.memory_space<hbm>> -> memref<1x4096xf32, #tpu.memory_space<hbm>>
    %dma_start3A_21 = tpu.memref_squeeze %dma_start3A_20 : memref<1x4096xf32, #tpu.memory_space<hbm>> -> memref<4096xf32, #tpu.memory_space<hbm>>
    %dma_start3A_22 = arith.constant 0 : i32
    %dma_start3A_23 = tpu.memref_slice %arg4[%add3A_16, %dma_start3A_22] : memref<64x16384xf32, #tpu.memory_space<hbm>> -> memref<1x4096xf32, #tpu.memory_space<hbm>>
    %dma_start3A_24 = tpu.memref_squeeze %dma_start3A_23 : memref<1x4096xf32, #tpu.memory_space<hbm>> -> memref<4096xf32, #tpu.memory_space<hbm>>
    tpu.enqueue_dma source(%arg7 : memref<4096xf32, #tpu.memory_space<vmem>>) target(%dma_start3A_24 : memref<4096xf32, #tpu.memory_space<hbm>>) target_semaphore(%arg11 : memref<!tpu.dma_semaphore, #tpu.memory_space<semaphore_mem>>)
    %parallel_loop3A_25 = arith.constant 0 : i32
    %parallel_loop3A_26 = arith.constant 256 : i32
    %parallel_loop3A_27 = arith.constant 1 : i32
    "tpu.trace_start"() <{level = 10 : i32, message = "gather_c0k1"}> : () -> ()
    scf.for %parallel_loop3A_152 = %parallel_loop3A_25 to %parallel_loop3A_26 step %parallel_loop3A_27  : i32 {
      %parallel_loop3A_153 = arith.constant 16 : i32
      %parallel_loop3A_154 = arith.muli %parallel_loop3A_152, %parallel_loop3A_153 : i32
      %parallel_loop3A_155 = arith.constant 4096 : i32
      %parallel_loop3A_156 = arith.addi %parallel_loop3A_155, %parallel_loop3A_154 : i32
      %parallel_loop3A_157 = arith.index_cast %parallel_loop3A_156 : i32 to index
      %parallel_loop3A_158 = tpu.vector_load %arg5[%parallel_loop3A_157] {strides = array<i32>} : memref<16384xi32, #tpu.memory_space<vmem>>, vector<16xi32>,
      %parallel_loop3A_159 = tpu.vector_load_idx %arg6[%parallel_loop3A_158] : memref<100001xf32, #tpu.memory_space<vmem>>[vector<16xi32>], vector<16xf32>,
      %parallel_loop3A_160 = arith.constant 16 : i32
      %parallel_loop3A_161 = arith.muli %parallel_loop3A_152, %parallel_loop3A_160 : i32
      %parallel_loop3A_162 = arith.index_cast %parallel_loop3A_161 : i32 to index
      %parallel_loop3A_163 = tpu.vector_load %arg8[%parallel_loop3A_162] {strides = array<i32>} : memref<4096xf32, #tpu.memory_space<vmem>>, vector<16xf32>,
      tpu.vector_store %arg8[%parallel_loop3A_162], %parallel_loop3A_159 {strides = array<i32>} : memref<4096xf32, #tpu.memory_space<vmem>>, vector<16xf32>,
    } {sc.loop_unroll_factor = 8 : i64, sc.parallel_access}
    "tpu.trace_stop"() : () -> ()
    %dma_start3A_28 = arith.constant 4096 : i32
    %dma_start3A_29 = tpu.memref_slice %arg4[%add3A_16, %dma_start3A_28] : memref<64x16384xf32, #tpu.memory_space<hbm>> -> memref<1x4096xf32, #tpu.memory_space<hbm>>
    %dma_start3A_30 = tpu.memref_squeeze %dma_start3A_29 : memref<1x4096xf32, #tpu.memory_space<hbm>> -> memref<4096xf32, #tpu.memory_space<hbm>>
    %dma_start3A_31 = arith.constant 4096 : i32
    %dma_start3A_32 = tpu.memref_slice %arg4[%add3A_16, %dma_start3A_31] : memref<64x16384xf32, #tpu.memory_space<hbm>> -> memref<1x4096xf32, #tpu.memory_space<hbm>>
    %dma_start3A_33 = tpu.memref_squeeze %dma_start3A_32 : memref<1x4096xf32, #tpu.memory_space<hbm>> -> memref<4096xf32, #tpu.memory_space<hbm>>
    tpu.enqueue_dma source(%arg8 : memref<4096xf32, #tpu.memory_space<vmem>>) target(%dma_start3A_33 : memref<4096xf32, #tpu.memory_space<hbm>>) target_semaphore(%arg12 : memref<!tpu.dma_semaphore, #tpu.memory_space<semaphore_mem>>)
    %dma_wait3A_34 = arith.constant 0 : i32
    %dma_wait3A_35 = tpu.memref_slice %arg4[%add3A_16, %dma_wait3A_34] : memref<64x16384xf32, #tpu.memory_space<hbm>> -> memref<1x4096xf32, #tpu.memory_space<hbm>>
    %dma_wait3A_36 = tpu.memref_squeeze %dma_wait3A_35 : memref<1x4096xf32, #tpu.memory_space<hbm>> -> memref<4096xf32, #tpu.memory_space<hbm>>
    %dma_wait3A_37 = arith.constant 0 : i32
    %dma_wait3A_38 = tpu.memref_slice %arg4[%add3A_16, %dma_wait3A_37] : memref<64x16384xf32, #tpu.memory_space<hbm>> -> memref<1x4096xf32, #tpu.memory_space<hbm>>
    %dma_wait3A_39 = tpu.memref_squeeze %dma_wait3A_38 : memref<1x4096xf32, #tpu.memory_space<hbm>> -> memref<4096xf32, #tpu.memory_space<hbm>>
    tpu.wait_dma2 semaphore(%arg11 : memref<!tpu.dma_semaphore, #tpu.memory_space<semaphore_mem>>) src(%arg7 : memref<4096xf32, #tpu.memory_space<vmem>>) dst(%dma_wait3A_39 : memref<4096xf32, #tpu.memory_space<hbm>>)
    %parallel_loop3A_40 = arith.constant 0 : i32
    %parallel_loop3A_41 = arith.constant 256 : i32
    %parallel_loop3A_42 = arith.constant 1 : i32
    "tpu.trace_start"() <{level = 10 : i32, message = "gather_c0k2"}> : () -> ()
    scf.for %parallel_loop3A_152 = %parallel_loop3A_40 to %parallel_loop3A_41 step %parallel_loop3A_42  : i32 {
      %parallel_loop3A_153 = arith.constant 16 : i32
      %parallel_loop3A_154 = arith.muli %parallel_loop3A_152, %parallel_loop3A_153 : i32
      %parallel_loop3A_155 = arith.constant 8192 : i32
      %parallel_loop3A_156 = arith.addi %parallel_loop3A_155, %parallel_loop3A_154 : i32
      %parallel_loop3A_157 = arith.index_cast %parallel_loop3A_156 : i32 to index
      %parallel_loop3A_158 = tpu.vector_load %arg5[%parallel_loop3A_157] {strides = array<i32>} : memref<16384xi32, #tpu.memory_space<vmem>>, vector<16xi32>,
      %parallel_loop3A_159 = tpu.vector_load_idx %arg6[%parallel_loop3A_158] : memref<100001xf32, #tpu.memory_space<vmem>>[vector<16xi32>], vector<16xf32>,
      %parallel_loop3A_160 = arith.constant 16 : i32
      %parallel_loop3A_161 = arith.muli %parallel_loop3A_152, %parallel_loop3A_160 : i32
      %parallel_loop3A_162 = arith.index_cast %parallel_loop3A_161 : i32 to index
      %parallel_loop3A_163 = tpu.vector_load %arg7[%parallel_loop3A_162] {strides = array<i32>} : memref<4096xf32, #tpu.memory_space<vmem>>, vector<16xf32>,
      tpu.vector_store %arg7[%parallel_loop3A_162], %parallel_loop3A_159 {strides = array<i32>} : memref<4096xf32, #tpu.memory_space<vmem>>, vector<16xf32>,
    } {sc.loop_unroll_factor = 8 : i64, sc.parallel_access}
    "tpu.trace_stop"() : () -> ()
    %dma_start3A_43 = arith.constant 8192 : i32
    %dma_start3A_44 = tpu.memref_slice %arg4[%add3A_16, %dma_start3A_43] : memref<64x16384xf32, #tpu.memory_space<hbm>> -> memref<1x4096xf32, #tpu.memory_space<hbm>>
    %dma_start3A_45 = tpu.memref_squeeze %dma_start3A_44 : memref<1x4096xf32, #tpu.memory_space<hbm>> -> memref<4096xf32, #tpu.memory_space<hbm>>
    %dma_start3A_46 = arith.constant 8192 : i32
    %dma_start3A_47 = tpu.memref_slice %arg4[%add3A_16, %dma_start3A_46] : memref<64x16384xf32, #tpu.memory_space<hbm>> -> memref<1x4096xf32, #tpu.memory_space<hbm>>
    %dma_start3A_48 = tpu.memref_squeeze %dma_start3A_47 : memref<1x4096xf32, #tpu.memory_space<hbm>> -> memref<4096xf32, #tpu.memory_space<hbm>>
    tpu.enqueue_dma source(%arg7 : memref<4096xf32, #tpu.memory_space<vmem>>) target(%dma_start3A_48 : memref<4096xf32, #tpu.memory_space<hbm>>) target_semaphore(%arg11 : memref<!tpu.dma_semaphore, #tpu.memory_space<semaphore_mem>>)
    %dma_wait3A_49 = arith.constant 4096 : i32
    %dma_wait3A_50 = tpu.memref_slice %arg4[%add3A_16, %dma_wait3A_49] : memref<64x16384xf32, #tpu.memory_space<hbm>> -> memref<1x4096xf32, #tpu.memory_space<hbm>>
    %dma_wait3A_51 = tpu.memref_squeeze %dma_wait3A_50 : memref<1x4096xf32, #tpu.memory_space<hbm>> -> memref<4096xf32, #tpu.memory_space<hbm>>
    %dma_wait3A_52 = arith.constant 4096 : i32
    %dma_wait3A_53 = tpu.memref_slice %arg4[%add3A_16, %dma_wait3A_52] : memref<64x16384xf32, #tpu.memory_space<hbm>> -> memref<1x4096xf32, #tpu.memory_space<hbm>>
    %dma_wait3A_54 = tpu.memref_squeeze %dma_wait3A_53 : memref<1x4096xf32, #tpu.memory_space<hbm>> -> memref<4096xf32, #tpu.memory_space<hbm>>
    tpu.wait_dma2 semaphore(%arg12 : memref<!tpu.dma_semaphore, #tpu.memory_space<semaphore_mem>>) src(%arg8 : memref<4096xf32, #tpu.memory_space<vmem>>) dst(%dma_wait3A_54 : memref<4096xf32, #tpu.memory_space<hbm>>)
    %parallel_loop3A_55 = arith.constant 0 : i32
    %parallel_loop3A_56 = arith.constant 256 : i32
    %parallel_loop3A_57 = arith.constant 1 : i32
    "tpu.trace_start"() <{level = 10 : i32, message = "gather_c0k3"}> : () -> ()
    scf.for %parallel_loop3A_152 = %parallel_loop3A_55 to %parallel_loop3A_56 step %parallel_loop3A_57  : i32 {
      %parallel_loop3A_153 = arith.constant 16 : i32
      %parallel_loop3A_154 = arith.muli %parallel_loop3A_152, %parallel_loop3A_153 : i32
      %parallel_loop3A_155 = arith.constant 12288 : i32
      %parallel_loop3A_156 = arith.addi %parallel_loop3A_155, %parallel_loop3A_154 : i32
      %parallel_loop3A_157 = arith.index_cast %parallel_loop3A_156 : i32 to index
      %parallel_loop3A_158 = tpu.vector_load %arg5[%parallel_loop3A_157] {strides = array<i32>} : memref<16384xi32, #tpu.memory_space<vmem>>, vector<16xi32>,
      %parallel_loop3A_159 = tpu.vector_load_idx %arg6[%parallel_loop3A_158] : memref<100001xf32, #tpu.memory_space<vmem>>[vector<16xi32>], vector<16xf32>,
      %parallel_loop3A_160 = arith.constant 16 : i32
      %parallel_loop3A_161 = arith.muli %parallel_loop3A_152, %parallel_loop3A_160 : i32
      %parallel_loop3A_162 = arith.index_cast %parallel_loop3A_161 : i32 to index
      %parallel_loop3A_163 = tpu.vector_load %arg8[%parallel_loop3A_162] {strides = array<i32>} : memref<4096xf32, #tpu.memory_space<vmem>>, vector<16xf32>,
      tpu.vector_store %arg8[%parallel_loop3A_162], %parallel_loop3A_159 {strides = array<i32>} : memref<4096xf32, #tpu.memory_space<vmem>>, vector<16xf32>,
    } {sc.loop_unroll_factor = 8 : i64, sc.parallel_access}
    "tpu.trace_stop"() : () -> ()
    %dma_start3A_58 = arith.constant 12288 : i32
    %dma_start3A_59 = tpu.memref_slice %arg4[%add3A_16, %dma_start3A_58] : memref<64x16384xf32, #tpu.memory_space<hbm>> -> memref<1x4096xf32, #tpu.memory_space<hbm>>
    %dma_start3A_60 = tpu.memref_squeeze %dma_start3A_59 : memref<1x4096xf32, #tpu.memory_space<hbm>> -> memref<4096xf32, #tpu.memory_space<hbm>>
    %dma_start3A_61 = arith.constant 12288 : i32
    %dma_start3A_62 = tpu.memref_slice %arg4[%add3A_16, %dma_start3A_61] : memref<64x16384xf32, #tpu.memory_space<hbm>> -> memref<1x4096xf32, #tpu.memory_space<hbm>>
    %dma_start3A_63 = tpu.memref_squeeze %dma_start3A_62 : memref<1x4096xf32, #tpu.memory_space<hbm>> -> memref<4096xf32, #tpu.memory_space<hbm>>
    tpu.enqueue_dma source(%arg8 : memref<4096xf32, #tpu.memory_space<vmem>>) target(%dma_start3A_63 : memref<4096xf32, #tpu.memory_space<hbm>>) target_semaphore(%arg12 : memref<!tpu.dma_semaphore, #tpu.memory_space<semaphore_mem>>)
    %mul3A_64 = arith.constant 2 : i32
    %mul3A_65 = arith.muli %add3A, %mul3A_64 : i32
    %add3A_66 = arith.constant 1 : i32
    %add3A_67 = arith.addi %mul3A_65, %add3A_66 : i32
    "tpu.trace_start"() <{level = 10 : i32, message = "stage_row1"}> : () -> ()
    %dma_start3A_68 = arith.constant 0 : i32
    %dma_start3A_69 = tpu.memref_slice %arg2[%add3A_67, %dma_start3A_68] : memref<64x100001xf32, #tpu.memory_space<hbm>> -> memref<1x100001xf32, #tpu.memory_space<hbm>>
    %dma_start3A_70 = tpu.memref_squeeze %dma_start3A_69 : memref<1x100001xf32, #tpu.memory_space<hbm>> -> memref<100001xf32, #tpu.memory_space<hbm>>
    %dma_start3A_71 = arith.constant 0 : i32
    %dma_start3A_72 = tpu.memref_slice %arg2[%add3A_67, %dma_start3A_71] : memref<64x100001xf32, #tpu.memory_space<hbm>> -> memref<1x100001xf32, #tpu.memory_space<hbm>>
    %dma_start3A_73 = tpu.memref_squeeze %dma_start3A_72 : memref<1x100001xf32, #tpu.memory_space<hbm>> -> memref<100001xf32, #tpu.memory_space<hbm>>
    tpu.enqueue_dma source(%dma_start3A_73 : memref<100001xf32, #tpu.memory_space<hbm>>) target(%arg6 : memref<100001xf32, #tpu.memory_space<vmem>>) target_semaphore(%arg10 : memref<!tpu.dma_semaphore, #tpu.memory_space<semaphore_mem>>)
    %dma_wait3A_74 = arith.constant 0 : i32
    %dma_wait3A_75 = tpu.memref_slice %arg2[%add3A_67, %dma_wait3A_74] : memref<64x100001xf32, #tpu.memory_space<hbm>> -> memref<1x100001xf32, #tpu.memory_space<hbm>>
    %dma_wait3A_76 = tpu.memref_squeeze %dma_wait3A_75 : memref<1x100001xf32, #tpu.memory_space<hbm>> -> memref<100001xf32, #tpu.memory_space<hbm>>
    %dma_wait3A_77 = arith.constant 0 : i32
    %dma_wait3A_78 = tpu.memref_slice %arg2[%add3A_67, %dma_wait3A_77] : memref<64x100001xf32, #tpu.memory_space<hbm>> -> memref<1x100001xf32, #tpu.memory_space<hbm>>
    %dma_wait3A_79 = tpu.memref_squeeze %dma_wait3A_78 : memref<1x100001xf32, #tpu.memory_space<hbm>> -> memref<100001xf32, #tpu.memory_space<hbm>>
    tpu.wait_dma2 semaphore(%arg10 : memref<!tpu.dma_semaphore, #tpu.memory_space<semaphore_mem>>) src(%dma_wait3A_79 : memref<100001xf32, #tpu.memory_space<hbm>>) dst(%arg6 : memref<100001xf32, #tpu.memory_space<vmem>>)
    "tpu.trace_stop"() : () -> ()
    %dma_wait3A_80 = arith.constant 8192 : i32
    %dma_wait3A_81 = tpu.memref_slice %arg4[%add3A_16, %dma_wait3A_80] : memref<64x16384xf32, #tpu.memory_space<hbm>> -> memref<1x4096xf32, #tpu.memory_space<hbm>>
    %dma_wait3A_82 = tpu.memref_squeeze %dma_wait3A_81 : memref<1x4096xf32, #tpu.memory_space<hbm>> -> memref<4096xf32, #tpu.memory_space<hbm>>
    %dma_wait3A_83 = arith.constant 8192 : i32
    %dma_wait3A_84 = tpu.memref_slice %arg4[%add3A_16, %dma_wait3A_83] : memref<64x16384xf32, #tpu.memory_space<hbm>> -> memref<1x4096xf32, #tpu.memory_space<hbm>>
    %dma_wait3A_85 = tpu.memref_squeeze %dma_wait3A_84 : memref<1x4096xf32, #tpu.memory_space<hbm>> -> memref<4096xf32, #tpu.memory_space<hbm>>
    tpu.wait_dma2 semaphore(%arg11 : memref<!tpu.dma_semaphore, #tpu.memory_space<semaphore_mem>>) src(%arg7 : memref<4096xf32, #tpu.memory_space<vmem>>) dst(%dma_wait3A_85 : memref<4096xf32, #tpu.memory_space<hbm>>)
    %parallel_loop3A_86 = arith.constant 0 : i32
    %parallel_loop3A_87 = arith.constant 256 : i32
    %parallel_loop3A_88 = arith.constant 1 : i32
    "tpu.trace_start"() <{level = 10 : i32, message = "gather_c1k0"}> : () -> ()
    scf.for %parallel_loop3A_152 = %parallel_loop3A_86 to %parallel_loop3A_87 step %parallel_loop3A_88  : i32 {
      %parallel_loop3A_153 = arith.constant 16 : i32
      %parallel_loop3A_154 = arith.muli %parallel_loop3A_152, %parallel_loop3A_153 : i32
      %parallel_loop3A_155 = arith.constant 0 : i32
      %parallel_loop3A_156 = arith.addi %parallel_loop3A_155, %parallel_loop3A_154 : i32
      %parallel_loop3A_157 = arith.index_cast %parallel_loop3A_156 : i32 to index
      %parallel_loop3A_158 = tpu.vector_load %arg5[%parallel_loop3A_157] {strides = array<i32>} : memref<16384xi32, #tpu.memory_space<vmem>>, vector<16xi32>,
      %parallel_loop3A_159 = tpu.vector_load_idx %arg6[%parallel_loop3A_158] : memref<100001xf32, #tpu.memory_space<vmem>>[vector<16xi32>], vector<16xf32>,
      %parallel_loop3A_160 = arith.constant 16 : i32
      %parallel_loop3A_161 = arith.muli %parallel_loop3A_152, %parallel_loop3A_160 : i32
      %parallel_loop3A_162 = arith.index_cast %parallel_loop3A_161 : i32 to index
      %parallel_loop3A_163 = tpu.vector_load %arg7[%parallel_loop3A_162] {strides = array<i32>} : memref<4096xf32, #tpu.memory_space<vmem>>, vector<16xf32>,
      tpu.vector_store %arg7[%parallel_loop3A_162], %parallel_loop3A_159 {strides = array<i32>} : memref<4096xf32, #tpu.memory_space<vmem>>, vector<16xf32>,
    } {sc.loop_unroll_factor = 8 : i64, sc.parallel_access}
    "tpu.trace_stop"() : () -> ()
    %dma_start3A_89 = arith.constant 0 : i32
    %dma_start3A_90 = tpu.memref_slice %arg4[%add3A_67, %dma_start3A_89] : memref<64x16384xf32, #tpu.memory_space<hbm>> -> memref<1x4096xf32, #tpu.memory_space<hbm>>
    %dma_start3A_91 = tpu.memref_squeeze %dma_start3A_90 : memref<1x4096xf32, #tpu.memory_space<hbm>> -> memref<4096xf32, #tpu.memory_space<hbm>>
    %dma_start3A_92 = arith.constant 0 : i32
    %dma_start3A_93 = tpu.memref_slice %arg4[%add3A_67, %dma_start3A_92] : memref<64x16384xf32, #tpu.memory_space<hbm>> -> memref<1x4096xf32, #tpu.memory_space<hbm>>
    %dma_start3A_94 = tpu.memref_squeeze %dma_start3A_93 : memref<1x4096xf32, #tpu.memory_space<hbm>> -> memref<4096xf32, #tpu.memory_space<hbm>>
    tpu.enqueue_dma source(%arg7 : memref<4096xf32, #tpu.memory_space<vmem>>) target(%dma_start3A_94 : memref<4096xf32, #tpu.memory_space<hbm>>) target_semaphore(%arg11 : memref<!tpu.dma_semaphore, #tpu.memory_space<semaphore_mem>>)
    %dma_wait3A_95 = arith.constant 12288 : i32
    %dma_wait3A_96 = tpu.memref_slice %arg4[%add3A_16, %dma_wait3A_95] : memref<64x16384xf32, #tpu.memory_space<hbm>> -> memref<1x4096xf32, #tpu.memory_space<hbm>>
    %dma_wait3A_97 = tpu.memref_squeeze %dma_wait3A_96 : memref<1x4096xf32, #tpu.memory_space<hbm>> -> memref<4096xf32, #tpu.memory_space<hbm>>
    %dma_wait3A_98 = arith.constant 12288 : i32
    %dma_wait3A_99 = tpu.memref_slice %arg4[%add3A_16, %dma_wait3A_98] : memref<64x16384xf32, #tpu.memory_space<hbm>> -> memref<1x4096xf32, #tpu.memory_space<hbm>>
    %dma_wait3A_100 = tpu.memref_squeeze %dma_wait3A_99 : memref<1x4096xf32, #tpu.memory_space<hbm>> -> memref<4096xf32, #tpu.memory_space<hbm>>
    tpu.wait_dma2 semaphore(%arg12 : memref<!tpu.dma_semaphore, #tpu.memory_space<semaphore_mem>>) src(%arg8 : memref<4096xf32, #tpu.memory_space<vmem>>) dst(%dma_wait3A_100 : memref<4096xf32, #tpu.memory_space<hbm>>)
    %parallel_loop3A_101 = arith.constant 0 : i32
    %parallel_loop3A_102 = arith.constant 256 : i32
    %parallel_loop3A_103 = arith.constant 1 : i32
    "tpu.trace_start"() <{level = 10 : i32, message = "gather_c1k1"}> : () -> ()
    scf.for %parallel_loop3A_152 = %parallel_loop3A_101 to %parallel_loop3A_102 step %parallel_loop3A_103  : i32 {
      %parallel_loop3A_153 = arith.constant 16 : i32
      %parallel_loop3A_154 = arith.muli %parallel_loop3A_152, %parallel_loop3A_153 : i32
      %parallel_loop3A_155 = arith.constant 4096 : i32
      %parallel_loop3A_156 = arith.addi %parallel_loop3A_155, %parallel_loop3A_154 : i32
      %parallel_loop3A_157 = arith.index_cast %parallel_loop3A_156 : i32 to index
      %parallel_loop3A_158 = tpu.vector_load %arg5[%parallel_loop3A_157] {strides = array<i32>} : memref<16384xi32, #tpu.memory_space<vmem>>, vector<16xi32>,
      %parallel_loop3A_159 = tpu.vector_load_idx %arg6[%parallel_loop3A_158] : memref<100001xf32, #tpu.memory_space<vmem>>[vector<16xi32>], vector<16xf32>,
      %parallel_loop3A_160 = arith.constant 16 : i32
      %parallel_loop3A_161 = arith.muli %parallel_loop3A_152, %parallel_loop3A_160 : i32
      %parallel_loop3A_162 = arith.index_cast %parallel_loop3A_161 : i32 to index
      %parallel_loop3A_163 = tpu.vector_load %arg8[%parallel_loop3A_162] {strides = array<i32>} : memref<4096xf32, #tpu.memory_space<vmem>>, vector<16xf32>,
      tpu.vector_store %arg8[%parallel_loop3A_162], %parallel_loop3A_159 {strides = array<i32>} : memref<4096xf32, #tpu.memory_space<vmem>>, vector<16xf32>,
    } {sc.loop_unroll_factor = 8 : i64, sc.parallel_access}
    "tpu.trace_stop"() : () -> ()
    %dma_start3A_104 = arith.constant 4096 : i32
    %dma_start3A_105 = tpu.memref_slice %arg4[%add3A_67, %dma_start3A_104] : memref<64x16384xf32, #tpu.memory_space<hbm>> -> memref<1x4096xf32, #tpu.memory_space<hbm>>
    %dma_start3A_106 = tpu.memref_squeeze %dma_start3A_105 : memref<1x4096xf32, #tpu.memory_space<hbm>> -> memref<4096xf32, #tpu.memory_space<hbm>>
    %dma_start3A_107 = arith.constant 4096 : i32
    %dma_start3A_108 = tpu.memref_slice %arg4[%add3A_67, %dma_start3A_107] : memref<64x16384xf32, #tpu.memory_space<hbm>> -> memref<1x4096xf32, #tpu.memory_space<hbm>>
    %dma_start3A_109 = tpu.memref_squeeze %dma_start3A_108 : memref<1x4096xf32, #tpu.memory_space<hbm>> -> memref<4096xf32, #tpu.memory_space<hbm>>
    tpu.enqueue_dma source(%arg8 : memref<4096xf32, #tpu.memory_space<vmem>>) target(%dma_start3A_109 : memref<4096xf32, #tpu.memory_space<hbm>>) target_semaphore(%arg12 : memref<!tpu.dma_semaphore, #tpu.memory_space<semaphore_mem>>)
    %dma_wait3A_110 = arith.constant 0 : i32
    %dma_wait3A_111 = tpu.memref_slice %arg4[%add3A_67, %dma_wait3A_110] : memref<64x16384xf32, #tpu.memory_space<hbm>> -> memref<1x4096xf32, #tpu.memory_space<hbm>>
    %dma_wait3A_112 = tpu.memref_squeeze %dma_wait3A_111 : memref<1x4096xf32, #tpu.memory_space<hbm>> -> memref<4096xf32, #tpu.memory_space<hbm>>
    %dma_wait3A_113 = arith.constant 0 : i32
    %dma_wait3A_114 = tpu.memref_slice %arg4[%add3A_67, %dma_wait3A_113] : memref<64x16384xf32, #tpu.memory_space<hbm>> -> memref<1x4096xf32, #tpu.memory_space<hbm>>
    %dma_wait3A_115 = tpu.memref_squeeze %dma_wait3A_114 : memref<1x4096xf32, #tpu.memory_space<hbm>> -> memref<4096xf32, #tpu.memory_space<hbm>>
    tpu.wait_dma2 semaphore(%arg11 : memref<!tpu.dma_semaphore, #tpu.memory_space<semaphore_mem>>) src(%arg7 : memref<4096xf32, #tpu.memory_space<vmem>>) dst(%dma_wait3A_115 : memref<4096xf32, #tpu.memory_space<hbm>>)
    %parallel_loop3A_116 = arith.constant 0 : i32
    %parallel_loop3A_117 = arith.constant 256 : i32
    %parallel_loop3A_118 = arith.constant 1 : i32
    "tpu.trace_start"() <{level = 10 : i32, message = "gather_c1k2"}> : () -> ()
    scf.for %parallel_loop3A_152 = %parallel_loop3A_116 to %parallel_loop3A_117 step %parallel_loop3A_118  : i32 {
      %parallel_loop3A_153 = arith.constant 16 : i32
      %parallel_loop3A_154 = arith.muli %parallel_loop3A_152, %parallel_loop3A_153 : i32
      %parallel_loop3A_155 = arith.constant 8192 : i32
      %parallel_loop3A_156 = arith.addi %parallel_loop3A_155, %parallel_loop3A_154 : i32
      %parallel_loop3A_157 = arith.index_cast %parallel_loop3A_156 : i32 to index
      %parallel_loop3A_158 = tpu.vector_load %arg5[%parallel_loop3A_157] {strides = array<i32>} : memref<16384xi32, #tpu.memory_space<vmem>>, vector<16xi32>,
      %parallel_loop3A_159 = tpu.vector_load_idx %arg6[%parallel_loop3A_158] : memref<100001xf32, #tpu.memory_space<vmem>>[vector<16xi32>], vector<16xf32>,
      %parallel_loop3A_160 = arith.constant 16 : i32
      %parallel_loop3A_161 = arith.muli %parallel_loop3A_152, %parallel_loop3A_160 : i32
      %parallel_loop3A_162 = arith.index_cast %parallel_loop3A_161 : i32 to index
      %parallel_loop3A_163 = tpu.vector_load %arg7[%parallel_loop3A_162] {strides = array<i32>} : memref<4096xf32, #tpu.memory_space<vmem>>, vector<16xf32>,
      tpu.vector_store %arg7[%parallel_loop3A_162], %parallel_loop3A_159 {strides = array<i32>} : memref<4096xf32, #tpu.memory_space<vmem>>, vector<16xf32>,
    } {sc.loop_unroll_factor = 8 : i64, sc.parallel_access}
    "tpu.trace_stop"() : () -> ()
    %dma_start3A_119 = arith.constant 8192 : i32
    %dma_start3A_120 = tpu.memref_slice %arg4[%add3A_67, %dma_start3A_119] : memref<64x16384xf32, #tpu.memory_space<hbm>> -> memref<1x4096xf32, #tpu.memory_space<hbm>>
    %dma_start3A_121 = tpu.memref_squeeze %dma_start3A_120 : memref<1x4096xf32, #tpu.memory_space<hbm>> -> memref<4096xf32, #tpu.memory_space<hbm>>
    %dma_start3A_122 = arith.constant 8192 : i32
    %dma_start3A_123 = tpu.memref_slice %arg4[%add3A_67, %dma_start3A_122] : memref<64x16384xf32, #tpu.memory_space<hbm>> -> memref<1x4096xf32, #tpu.memory_space<hbm>>
    %dma_start3A_124 = tpu.memref_squeeze %dma_start3A_123 : memref<1x4096xf32, #tpu.memory_space<hbm>> -> memref<4096xf32, #tpu.memory_space<hbm>>
    tpu.enqueue_dma source(%arg7 : memref<4096xf32, #tpu.memory_space<vmem>>) target(%dma_start3A_124 : memref<4096xf32, #tpu.memory_space<hbm>>) target_semaphore(%arg11 : memref<!tpu.dma_semaphore, #tpu.memory_space<semaphore_mem>>)
    %dma_wait3A_125 = arith.constant 4096 : i32
    %dma_wait3A_126 = tpu.memref_slice %arg4[%add3A_67, %dma_wait3A_125] : memref<64x16384xf32, #tpu.memory_space<hbm>> -> memref<1x4096xf32, #tpu.memory_space<hbm>>
    %dma_wait3A_127 = tpu.memref_squeeze %dma_wait3A_126 : memref<1x4096xf32, #tpu.memory_space<hbm>> -> memref<4096xf32, #tpu.memory_space<hbm>>
    %dma_wait3A_128 = arith.constant 4096 : i32
    %dma_wait3A_129 = tpu.memref_slice %arg4[%add3A_67, %dma_wait3A_128] : memref<64x16384xf32, #tpu.memory_space<hbm>> -> memref<1x4096xf32, #tpu.memory_space<hbm>>
    %dma_wait3A_130 = tpu.memref_squeeze %dma_wait3A_129 : memref<1x4096xf32, #tpu.memory_space<hbm>> -> memref<4096xf32, #tpu.memory_space<hbm>>
    tpu.wait_dma2 semaphore(%arg12 : memref<!tpu.dma_semaphore, #tpu.memory_space<semaphore_mem>>) src(%arg8 : memref<4096xf32, #tpu.memory_space<vmem>>) dst(%dma_wait3A_130 : memref<4096xf32, #tpu.memory_space<hbm>>)
    %parallel_loop3A_131 = arith.constant 0 : i32
    %parallel_loop3A_132 = arith.constant 256 : i32
    %parallel_loop3A_133 = arith.constant 1 : i32
    "tpu.trace_start"() <{level = 10 : i32, message = "gather_c1k3"}> : () -> ()
    scf.for %parallel_loop3A_152 = %parallel_loop3A_131 to %parallel_loop3A_132 step %parallel_loop3A_133  : i32 {
      %parallel_loop3A_153 = arith.constant 16 : i32
      %parallel_loop3A_154 = arith.muli %parallel_loop3A_152, %parallel_loop3A_153 : i32
      %parallel_loop3A_155 = arith.constant 12288 : i32
      %parallel_loop3A_156 = arith.addi %parallel_loop3A_155, %parallel_loop3A_154 : i32
      %parallel_loop3A_157 = arith.index_cast %parallel_loop3A_156 : i32 to index
      %parallel_loop3A_158 = tpu.vector_load %arg5[%parallel_loop3A_157] {strides = array<i32>} : memref<16384xi32, #tpu.memory_space<vmem>>, vector<16xi32>,
      %parallel_loop3A_159 = tpu.vector_load_idx %arg6[%parallel_loop3A_158] : memref<100001xf32, #tpu.memory_space<vmem>>[vector<16xi32>], vector<16xf32>,
      %parallel_loop3A_160 = arith.constant 16 : i32
      %parallel_loop3A_161 = arith.muli %parallel_loop3A_152, %parallel_loop3A_160 : i32
      %parallel_loop3A_162 = arith.index_cast %parallel_loop3A_161 : i32 to index
      %parallel_loop3A_163 = tpu.vector_load %arg8[%parallel_loop3A_162] {strides = array<i32>} : memref<4096xf32, #tpu.memory_space<vmem>>, vector<16xf32>,
      tpu.vector_store %arg8[%parallel_loop3A_162], %parallel_loop3A_159 {strides = array<i32>} : memref<4096xf32, #tpu.memory_space<vmem>>, vector<16xf32>,
    } {sc.loop_unroll_factor = 8 : i64, sc.parallel_access}
    "tpu.trace_stop"() : () -> ()
    %dma_start3A_134 = arith.constant 12288 : i32
    %dma_start3A_135 = tpu.memref_slice %arg4[%add3A_67, %dma_start3A_134] : memref<64x16384xf32, #tpu.memory_space<hbm>> -> memref<1x4096xf32, #tpu.memory_space<hbm>>
    %dma_start3A_136 = tpu.memref_squeeze %dma_start3A_135 : memref<1x4096xf32, #tpu.memory_space<hbm>> -> memref<4096xf32, #tpu.memory_space<hbm>>
    %dma_start3A_137 = arith.constant 12288 : i32
    %dma_start3A_138 = tpu.memref_slice %arg4[%add3A_67, %dma_start3A_137] : memref<64x16384xf32, #tpu.memory_space<hbm>> -> memref<1x4096xf32, #tpu.memory_space<hbm>>
    %dma_start3A_139 = tpu.memref_squeeze %dma_start3A_138 : memref<1x4096xf32, #tpu.memory_space<hbm>> -> memref<4096xf32, #tpu.memory_space<hbm>>
    tpu.enqueue_dma source(%arg8 : memref<4096xf32, #tpu.memory_space<vmem>>) target(%dma_start3A_139 : memref<4096xf32, #tpu.memory_space<hbm>>) target_semaphore(%arg12 : memref<!tpu.dma_semaphore, #tpu.memory_space<semaphore_mem>>)
    %dma_wait3A_140 = arith.constant 8192 : i32
    %dma_wait3A_141 = tpu.memref_slice %arg4[%add3A_67, %dma_wait3A_140] : memref<64x16384xf32, #tpu.memory_space<hbm>> -> memref<1x4096xf32, #tpu.memory_space<hbm>>
    %dma_wait3A_142 = tpu.memref_squeeze %dma_wait3A_141 : memref<1x4096xf32, #tpu.memory_space<hbm>> -> memref<4096xf32, #tpu.memory_space<hbm>>
    %dma_wait3A_143 = arith.constant 8192 : i32
    %dma_wait3A_144 = tpu.memref_slice %arg4[%add3A_67, %dma_wait3A_143] : memref<64x16384xf32, #tpu.memory_space<hbm>> -> memref<1x4096xf32, #tpu.memory_space<hbm>>
    %dma_wait3A_145 = tpu.memref_squeeze %dma_wait3A_144 : memref<1x4096xf32, #tpu.memory_space<hbm>> -> memref<4096xf32, #tpu.memory_space<hbm>>
    tpu.wait_dma2 semaphore(%arg11 : memref<!tpu.dma_semaphore, #tpu.memory_space<semaphore_mem>>) src(%arg7 : memref<4096xf32, #tpu.memory_space<vmem>>) dst(%dma_wait3A_145 : memref<4096xf32, #tpu.memory_space<hbm>>)
    %dma_wait3A_146 = arith.constant 12288 : i32
    %dma_wait3A_147 = tpu.memref_slice %arg4[%add3A_67, %dma_wait3A_146] : memref<64x16384xf32, #tpu.memory_space<hbm>> -> memref<1x4096xf32, #tpu.memory_space<hbm>>
    %dma_wait3A_148 = tpu.memref_squeeze %dma_wait3A_147 : memref<1x4096xf32, #tpu.memory_space<hbm>> -> memref<4096xf32, #tpu.memory_space<hbm>>
    %dma_wait3A_149 = arith.constant 12288 : i32
    %dma_wait3A_150 = tpu.memref_slice %arg4[%add3A_67, %dma_wait3A_149] : memref<64x16384xf32, #tpu.memory_space<hbm>> -> memref<1x4096xf32, #tpu.memory_space<hbm>>
    %dma_wait3A_151 = tpu.memref_squeeze %dma_wait3A_150 : memref<1x4096xf32, #tpu.memory_space<hbm>> -> memref<4096xf32, #tpu.memory_space<hbm>>
    tpu.wait_dma2 semaphore(%arg12 : memref<!tpu.dma_semaphore, #tpu.memory_space<semaphore_mem>>) src(%arg8 : memref<4096xf32, #tpu.memory_space<vmem>>) dst(%dma_wait3A_151 : memref<4096xf32, #tpu.memory_space<hbm>>)
    return
  }
}

</mosaic_0001>

<sc_bundles>
// kernel: kernel.3.cloned.1.call-start
scs
__scs_entry_jumppad:
0x0: {  	(pc) =	sbr.rel $0x88, $3  }
0x1: {  	(tag) =	ssettag $0x0;
	lr =	simm.s32 $0x1  }
0x2: {  	[smem:$0x3F9F] =	sst lr;
	_ =	strace $0xD0000000  }
0x3: {  	_ = 	snop  }
0x4: {  	_ = 	snop  }
0x5: {  	_ = 	snop  }
0x6: {  	_ = 	snop  }
0x7: {  	_ = 	snop  }
__scs_overlays_trampoline_lowered:
0x8: {  	[smem:$0x3FAE] =	sst s0  }
0x9: {  	[smem:$0x3FAF] =	sst s1  }
0xa: {  	[smem:$0x3FB0] =	sst s2  }
0xb: {  	[smem:$0x3FB1] =	sst s3  }
0xc: {  	[smem:$0x3FB2] =	sst s4  }
0xd: {  	[smem:$0x3FB3] =	sst s5  }
0xe: {  	[smem:$0x3FB4] =	sst s6  }
0xf: {  	[smem:$0x3FB5] =	sst s7  }
0x10: {  	[smem:$0x3FB6] =	sst s8  }
0x11: {  	[smem:$0x3FB7] =	sst s9;
	s0 =	simm.s32 @!p0 $0x0  }
0x12: {  	s1 =	sld [smem:$0x3F9D];
	s0 =	simm.s32 @p0 $0x1  }
0x13: {  	[smem:$0x3FB8] =	sst s0;
	s0 =	simm.s32 @!p1 $0x0  }
0x14: {  	s2 =	sld [smem:$0x3F9C];
	s0 =	simm.s32 @p1 $0x1  }
0x15: {  	[smem:$0x3FB9] =	sst s0;
	s0 =	simm.s32 @!p2 $0x0  }
0x16: {  	s3 =	sld [smem:$0x3FDB];
	s0 =	simm.s32 @p2 $0x1  }
0x17: {  	s4 =	simm.s32 $0x1BF5;
	[smem:$0x3FBB] =	sst s0  }
0x18: {  	s0 =	sld [smem:$0x3F9E];
	_ =	swait.ge [sflag:s4], $0x0  }
0x19: {  	s7 =	sld [smem:$0x3F9F]  }
0x1a: {  	s8 =	sadd.s32 $0xFFFFE003, lr  }
0x1b: {  	s9 =	sadd.s32 $0xFFFFFEF7, lr;
	s5 =	simm.s32 $0xFFFFFFFF;
	p2 =	slt.u32 s8, $0xFFFFF086  }
0x1c: {  	p1 =	slt.u32 s9, $0xF7A;
	s5 =	simm.s32 @!p2 $0x0  }
0x1d: {  	s5 =	simm.s32 @p1 $0x1;
	p0 =	seq.s32 s7, s2  }
0x1e: {  	s7 =	smul.u32 @!p0 $0xF7A, s2;
	p2 =	seq.s32 @!p0 s5, $0x0  }
0x1f: {  	s9 =	smul.u32 $0xF7A, s1;
	s8 =	simm.s32 @!p0 $0x1BF5;
	p2 =	por !p2, p0  }
0x20: {  	[sflag:s8] =	ssyncset.s32 @!p0 $0xFFFFF086;
	s6 =	sadd.s32 @!p0 s3, s7;
	s7 =	simm.s32 @!p0 $0x108  }
0x21: {  	s3 =	sadd.s32 s3, s9;
	s6 =	sadd.s32 @!p0 $0x88, s6;
	s7 =	simm.s32 @p2 $0x1082  }
0x22: {  	[simem:s7], [sflag:s8] =	dma.local @!p0 [hbm:s6], $0xF7A  }
0x23: {  	s9 =	sor.u32 $0xD0000000, s2;
	s6 =	simm.s32 $0x108;
	_ =	swait.ge @!p0 [sflag:s8], $0x0  }
0x24: {  	s3 =	sadd.s32 $0x88, s3;
	s6 =	simm.s32 @!p1 $0x1082;
	[sflag:s4] =	ssyncset.s32 $0xFFFFF086  }
0x25: {  	[simem:s6], [sflag:s4] =	dma.local [hbm:s3], $0xF7A  }
0x26: {  	[smem:$0x3F9F] =	sst s1;
	(tag) =	ssettag s2;
	_ =	strace s9  }
0x27: {  	s1 =	sld [smem:$0x3FAF]  }
0x28: {  	s2 =	sld [smem:$0x3FB0]  }
0x29: {  	s4 =	sld [smem:$0x3FB2]  }
0x2a: {  	p0 =	seq.s32 s5, $0x0;
	s5 =	sld [smem:$0x3FB3]  }
0x2b: {  	s6 =	sld [smem:$0x3FB4]  }
0x2c: {  	s7 =	sld [smem:$0x3FB5]  }
0x2d: {  	s3 =	simm.s32 $0x108;
	s8 =	sld [smem:$0x3FB6]  }
0x2e: {  	s3 =	simm.s32 @!p0 $0x1082;
	s9 =	sld [smem:$0x3FB7]  }
0x2f: {  	lr =	sadd.s32 s0, s3;
	s0 =	sld [smem:$0x3FAE]  }
0x30: {  	s3 =	sld [smem:$0x3FB1]  }
0x31: {  	[smem:$0x3FBA] =	sst s10  }
0x32: {  	s10 =	sld [smem:$0x3FB8];
	_ =	sdelay $0x3  }
0x33: {  	p0 =	seq.s32 s10, $0x1;
	s10 =	sld [smem:$0x3FBA];
	_ =	sdelay $0x3  }
0x34: {  	[smem:$0x3FBA] =	sst s10  }
0x35: {  	s10 =	sld [smem:$0x3FB9];
	_ =	sdelay $0x3  }
0x36: {  	p1 =	seq.s32 s10, $0x1;
	s10 =	sld [smem:$0x3FBA];
	_ =	sdelay $0x3  }
0x37: {  	[smem:$0x3FBA] =	sst s10  }
0x38: {  	s10 =	sld [smem:$0x3FBB]  }
0x39: {  	_ = 	snop;
	(pc) =	sbr.ind lr, $3  }
0x3a: {  	_ = 	snop  }
0x3b: {  	_ = 	snop  }
0x3c: {  	p2 =	seq.s32 s10, $0x1;
	s10 =	sld [smem:$0x3FBA]  }
0x3d: {  	_ =	shalt  }
0x3e: {  	_ =	shalt  }
0x3f: {  	_ =	shalt  }
0x40: {  	_ =	shalt  }
0x41: {  	_ =	shalt  }
0x42: {  	_ =	shalt  }
0x43: {  	_ =	shalt  }
0x44: {  	_ =	shalt  }
0x45: {  	_ =	shalt  }
0x46: {  	_ =	shalt  }
0x47: {  	_ =	shalt  }
0x48: {  	_ =	shalt  }
0x49: {  	_ =	shalt  }
0x4a: {  	_ =	shalt  }
0x4b: {  	_ =	shalt  }
0x4c: {  	_ =	shalt  }
0x4d: {  	_ =	shalt  }
0x4e: {  	_ =	shalt  }
0x4f: {  	_ =	shalt  }
0x50: {  	_ =	shalt  }
0x51: {  	_ =	shalt  }
0x52: {  	_ =	shalt  }
0x53: {  	_ =	shalt  }
0x54: {  	_ =	shalt  }
0x55: {  	_ =	shalt  }
0x56: {  	_ =	shalt  }
0x57: {  	_ =	shalt  }
0x58: {  	_ =	shalt  }
0x59: {  	_ =	shalt  }
0x5a: {  	_ =	shalt  }
0x5b: {  	_ =	shalt  }
0x5c: {  	_ =	shalt  }
0x5d: {  	_ =	shalt  }
0x5e: {  	_ =	shalt  }
0x5f: {  	_ =	shalt  }
0x60: {  	_ =	shalt  }
0x61: {  	_ =	shalt  }
0x62: {  	_ =	shalt  }
0x63: {  	_ =	shalt  }
0x64: {  	_ =	shalt  }
0x65: {  	_ =	shalt  }
0x66: {  	_ =	shalt  }
0x67: {  	_ =	shalt  }
0x68: {  	_ =	shalt  }
0x69: {  	_ =	shalt  }
0x6a: {  	_ =	shalt  }
0x6b: {  	_ =	shalt  }
0x6c: {  	_ =	shalt  }
0x6d: {  	_ =	shalt  }
0x6e: {  	_ =	shalt  }
0x6f: {  	_ =	shalt  }
0x70: {  	_ =	shalt  }
0x71: {  	_ =	shalt  }
0x72: {  	_ =	shalt  }
0x73: {  	_ =	shalt  }
0x74: {  	_ =	shalt  }
0x75: {  	_ =	shalt  }
0x76: {  	_ =	shalt  }
0x77: {  	_ =	shalt  }
0x78: {  	_ =	shalt  }
0x79: {  	_ =	shalt  }
0x7a: {  	_ =	shalt  }
0x7b: {  	_ =	shalt  }
0x7c: {  	_ =	shalt  }
0x7d: {  	_ =	shalt  }
0x7e: {  	_ =	shalt  }
0x7f: {  	_ =	shalt  }
0x80: {  	_ =	shalt  }
0x81: {  	_ =	shalt  }
0x82: {  	_ =	shalt  }
0x83: {  	_ =	shalt  }
0x84: {  	_ =	shalt  }
0x85: {  	_ =	shalt  }
0x86: {  	_ =	shalt  }
0x87: {  	_ =	shalt  }
.Lfunc_end0:
.L_simem_size_0:
called_computation_lowered:
.L_overlay_start_0:
0x88: {  	s2 =	sld [smem:$0x3FD9]  }
0x89: {  	s3 =	sld [smem:$0x3FFE];
	_ =	sdelay $0x1  }
0x8a: {  	s1 =	srdreg.scid  }
0x8b: {  	s0 =	sand.u32 $0x1, s1  }
0x8c: {  	s18 =	sshll.u32 s0, $0xA;
	s2 =	sadd.s32 s3, s2  }
0x8d: {  	s2 =	sadd.s32 s2, s18  }
0x8e: {  	[smem:$0x3FC6] =	sst s2  }
0x8f: {  	_ = 	snop  }
0x90: {  	s2 =	sld [smem:$0x3FC9]  }
0x91: {  	s19 =	sld [smem:$0x3FC8]  }
0x92: {  	s4 =	sld [smem:$0x3FD0];
	(tm) =	ssettm $0x1  }
0x93: {  	s5 =	sld [smem:$0x3FFB];
	_ =	sdelay $0x3  }
0x94: {  	_ =	strace s5  }
0x95: {  	s5 =	sld [smem:$0x3FFC];
	_ =	sdelay $0x3  }
0x96: {  	_ =	strace s5  }
0x97: {  	s5 =	sld [smem:$0x3FFD];
	_ =	sdelay $0x3  }
0x98: {  	_ =	strace s5  }
0x99: {  	_ =	strace $0x8FFFFFFF  }
0x9a: {  	s20 =	sld [smem:$0x3FDB];
	_ =	sdelay $0x1  }
0x9b: {  	s6 =	simm.s32 $_scs_section_size  }
0x9c: {  	s7 =	simm.s32 $_size__tile_overlayer_lowered;
	s8 =	simm.s32 $_tile_overlayer_lowered  }
0x9d: {  	s23 =	simm.s32 $0x1BFF;
	s22 =	sshll.u32 s8, $0x1;
	s5 =	sadd.s32 s6, s20  }
0x9e: {  	s9 =	simm.s32 $0x0;
	s21 =	sshll.u32 s7, $0x1;
	s7 =	sadd.s32 s22, s5  }
0x9f: {  	[timem:s9], [sflag:s23] =	dma.local [hbm:s7], s21  }
0xa0: {  	_ =	swait.ge [sflag:s23], s21  }
0xa1: {  	s6 =	ssub.s32 $0x0, s21;
	[sflag:s23] =	ssyncset.done $0x0  }
0xa2: {  	[sflag:s23] =	ssyncadd.s32 s6;
	_ =	sdelay $0x1  }
0xa3: {  	s24 =	simm.s32 $0x1B8B  }
0xa4: {  	_ =	swait.ge [sflag:s24], $0x1  }
0xa5: {  	[sflag:s24] =	ssyncset.done $0x0  }
0xa6: {  	s25 =	simm.s32 $0x1B8E;
	[sflag:s24] =	ssyncadd.s32 $0xFFFFFFFF  }
0xa7: {  	s26 =	simm.s32 $execute0_lowered;
	[smem:$0x3FD2] =	sst s25  }
0xa8: {  	s6 =	sshll.u32 s26, $0x1;
	_ =	strace $0x80000046;
	[dreg:$0x1] =	wrdreg $0xFFFFFFFF  }
0xa9: {  	s28 =	simm.s32 $_size_execute0_lowered;
	s5 =	sadd.s32 s5, s6;
	[dreg:$0x0] =	wrdreg $0x0  }
0xaa: {  	s6 =	sshll.u32 s28, $0x1;
	[dreg:$0x2] =	wrdreg s5  }
0xab: {  	[dreg:$0x3] =	wrdreg s6  }
0xac: {  	[dreg:$0x4] =	wrdreg $0xC0  }
0xad: {  	_ =	task [dreg:s9], $0x5FFFF  }
0xae: {  	[dreg:$0x1] =	wrdreg $0xFFFFFFFF  }
0xaf: {  	[dreg:$0x0] =	wrdreg $0x60  }
0xb0: {  	[dreg:$0x2] =	wrdreg s19  }
0xb1: {  	[dreg:$0x3] =	wrdreg s2  }
0xb2: {  	[dreg:$0x4] =	wrdreg s4  }
0xb3: {  	[dreg:$0x5] =	wrdreg $0x9  }
0xb4: {  	_ =	task.clear_ibuf [dreg:s9], $0x6FFFF;
	_ =	strace $0x90000046  }
0xb5: {  	s29 =	simm.s32 $0x9;
	_ =	strace $0x80000052  }
0xb6: {  	_ =	swait.ge [sflag:s29], $0x1  }
0xb7: {  	[sflag:s29] =	ssyncadd.s32 $0xFFFFFFFF  }
0xb8: {  	_ =	strace $0x90000052  }
0xb9: {  	_ =	sfence  }
0xba: {  	s30 =	sld [smem:$0x0];
	_ =	sdelay $0x2  }
0xbb: {  	s31 =	sshll.u32 s1, $0xD;
	s1 =	sshrl.u32 s1, $0x2  }
0xbc: {  	s3 =	sand.u32 $0x4000, s31;
	s1 =	sadd.s32 s1, s30  }
0xbd: {  	s0 =	sor.u32 s3, s0;
	s1 =	sshll.u32 s1, $0x11  }
0xbe: {  	s0 =	sor.u32 s1, s0  }
0xbf: {  	s0 =	sadd.s32 $0x8F2B, s0  }
0xc0: {  	[sflag:s0] =	ssyncadd.remote.s32 $0x1  }
0xc1: {  	_ =	sfence.sel $0xFFFF  }
0xc2: {  	[dreg:$0x0] =	wrdreg $0xFFFFFFFF;
	(pc) =	sbr.abs _section_cstart, $3  }
0xc3: {  	[dreg:$0x1] =	wrdreg $0xFFFFFFFF  }
0xc4: {  	_ =	task.clear_ibuf [dreg:s9], $0x2FFFF;
	_ =	strace $0x9FFFFFFF  }
0xc5: {  	(tm) =	ssettm $0x7FFFFFFF  }
tec
execute0_lowered:
.L_overlay_start_1:
0x0: {  	(tag) =	ssettag $0x1  }
0x1: {  	s9 =	rddreg [dreg:$0x0]  }
0x2: {  	s1 =	rddreg [dreg:$0x1]  }
0x3: {  	s10 =	rddreg [dreg:$0x2]  }
0x4: {  	s0 =	rddreg [dreg:$0x3];
	s3 =	simm.s32 $0x0  }
0x5: {  	s4 =	srdreg.scid;
	s2 =	stileid.u32;
	s19 =	simm.s32 $0x2  }
0x6: {  	s20 =	simm.s32 $0x1C700;
	s21 =	simm.s32 $0x1D700;
	s22 =	simm.s32 $0x3  }
0x7: {  	s23 =	simm.s32 $0x4;
	s24 =	simm.s32 $0x0;
	[smem:$0x7FF] =	sst s3  }
0x8: {  	s4 =	sand.u32 $0x1, s4;
	s5 =	sshll.u32 s2, $0x9;
	s6 =	sshrl.u32 s2, $0x1  }
0x9: {  	s30 =	sadd.s32 $0x1000, s10;
	s15 =	sadd.s32 $0x2000, s10;
	s17 =	sadd.s32 $0x3000, s10  }
0xa: {  	s7 =	sshll.u32 s4, $0x8;
	s5 =	sand.u32 $0x200, s5;
	s8 =	smul.u32 $0xC3800, s6  }
0xb: {  	_ =	strace $0x80000047;
	s4 =	ssub.s32 $0x2, s4;
	s7 =	sor.u32 s7, s5  }
0xc: {  	s11 =	sshll.u32 s6, $0x11;
	s12 =	sshrl.u32 s4, $0x1;
	s5 =	sor.u32 s8, s7  }
0xd: {  	s6 =	sor.u32 s11, s7;
	s14 =	ssub.s32 s4, s12;
	s16 =	sor.u32 $0x80, s7  }
0xe: {  	s5 =	sshrl.u32 s5, $0x3;
	s13 =	sshrl.u32 s6, $0x3;
	s8 =	sor.u32 s8, s16  }
0xf: {  	s11 =	sor.u32 s11, s16;
	s14 =	smax.u32 s14, $0x1;
	s16 =	simm.s32 $0x400  }
0x10: {  	s4 =	sadd.s32 s9, s5;
	s5 =	sadd.s32 s10, s13;
	s6 =	sadd.s32 s13, s30  }
0x11: {  	s7 =	sadd.s32 s13, s15;
	s18 =	sshrl.u32 s8, $0x3;
	s31 =	sshrl.u32 s11, $0x3  }
0x12: {  	s8 =	sadd.s32 s13, s17;
	s9 =	sadd.s32 s9, s18;
	s10 =	sadd.s32 s10, s31  }
0x13: {  	s11 =	sadd.s32 s31, s30;
	s12 =	sadd.s32 s31, s15;
	s13 =	sadd.s32 s31, s17  }
0x14: {  	s15 =	simm.s32 $0x80;
	s17 =	simm.s32 $0x4000;
	s18 =	simm.s32 $0x1  }
.LBB2_1:
0x15: {  	_ =	strace $0x80000048  }
0x16: {  	[tilespmem:s17], [sflag:$0x2] =	stream.strided.gather [hbm4b:s4+s15], $0x18700, s16, s15, $0x200038;
	[tilespmem:$0x1E700] =	vst v63  }
0x17: {  	_ = 	snop  }
0x18: {  	[tilespmem:s3], [sflag:$0x1] =	stream.linear.gather [hbm4b:s1+s3], $0x4000, $0x200038;
	[tilespmem:$0x1E700] =	vst v63  }
0x19: {  	_ =	swait.ge [sflag:s18], $0x4000  }
0x1a: {  	[sflag:s18] =	ssyncset.done $0x0  }
0x1b: {  	[sflag:s18] =	ssyncadd.s32 $0xFFFFC000  }
0x1c: {  	_ =	swait.ge [sflag:s19], $0x18700  }
0x1d: {  	[sflag:s19] =	ssyncset.done $0x0  }
0x1e: {  	[sflag:s19] =	ssyncadd.s32 $0xFFFE7900  }
0x1f: {  	_ =	strace $0x90000048  }
0x20: {  	s25 =	simm.s32 $0x40;
	_ =	strace $0x80000049  }
0x21: {  	v0 =	vld [tilespmem:s25+$0x30]  }
0x22: {  	v1 =	vld [tilespmem:s25+$0xFFFFFFD0]  }
0x23: {  	v2 =	vld [tilespmem:s25+$0xFFFFFFE0]  }
0x24: {  	v3 =	vld [tilespmem:s25+$0xFFFFFFF0]  }
0x25: {  	v4 =	vld [tilespmem:s25+$0x0]  }
0x26: {  	v6 =	vld [tilespmem:s25+$0x10]  }
0x27: {  	v7 =	vld [tilespmem:s25+$0x20]  }
0x28: {  	v8 =	vld [tilespmem:s25+$0xFFFFFFC0]  }
0x29: {  	v9 =	vld.idx.msk [tilespmem:v0+s17+$0x0], $0xffff  }
0x2a: {  	v10 =	vld.idx.msk [tilespmem:v1+s17+$0x0], $0xffff  }
0x2b: {  	v5 =	vld.idx.msk [tilespmem:v2+s17+$0x0], $0xffff  }
0x2c: {  	v3 =	vld.idx.msk [tilespmem:v3+s17+$0x0], $0xffff  }
0x2d: {  	v0 =	vld.idx.msk [tilespmem:v4+s17+$0x0], $0xffff  }
0x2e: {  	s25 =	simm.s32 $0x1C740;
	v1 =	vld.idx.msk [tilespmem:v6+s17+$0x0], $0xffff  }
0x2f: {  	v2 =	vld.idx.msk [tilespmem:v7+s17+$0x0], $0xffff;
	[tilespmem:s25+$0x30] =	vst v9  }
0x30: {  	s26 =	simm.s32 $0x0;
	s28 =	simm.s32 $0xC0;
	v4 =	vld.idx.msk [tilespmem:v8+s17+$0x0], $0xffff;
	[tilespmem:s25+$0xFFFFFFD0] =	vst v10  }
.LBB2_2:
0x31: {  	v6 =	vld [tilespmem:s28+$0x30];
	s26 =	sadd.s32 $0x8, s26;
	[tilespmem:s25+$0xFFFFFFE0] =	vst v5  }
0x32: {  	v5 =	vld [tilespmem:s28+$0xFFFFFFD0];
	p0 =	slt.u32 s26, $0xF8;
	[tilespmem:s25+$0xFFFFFFF0] =	vst v3  }
0x33: {  	v3 =	vld [tilespmem:s28+$0xFFFFFFE0];
	[tilespmem:s25+$0x0] =	vst v0  }
0x34: {  	v0 =	vld [tilespmem:s28+$0xFFFFFFF0];
	[tilespmem:s25+$0x10] =	vst v1  }
0x35: {  	v1 =	vld [tilespmem:s28+$0x0];
	[tilespmem:s25+$0x20] =	vst v2  }
0x36: {  	v2 =	vld [tilespmem:s28+$0x10];
	[tilespmem:s25+$0xFFFFFFC0] =	vst v4  }
0x37: {  	v4 =	vld [tilespmem:s28+$0x20]  }
0x38: {  	v7 =	vld [tilespmem:s28+$0xFFFFFFC0]  }
0x39: {  	v6 =	vld.idx.msk [tilespmem:v6+s17+$0x0], $0xffff  }
0x3a: {  	v8 =	vld.idx.msk [tilespmem:v5+s17+$0x0], $0xffff  }
0x3b: {  	v5 =	vld.idx.msk [tilespmem:v3+s17+$0x0], $0xffff  }
.Ltmp0:
0x3c: {  	v3 =	vld.idx.msk [tilespmem:v0+s17+$0x0], $0xffff;
	(pc) =	sbr.rel @p0 .LBB2_2-.Ltmp0, $4  }
0x3d: {  	v0 =	vld.idx.msk [tilespmem:v1+s17+$0x0], $0xffff  }
0x3e: {  	s25 =	sadd.s32 $0x80, s25;
	v1 =	vld.idx.msk [tilespmem:v2+s17+$0x0], $0xffff  }
0x3f: {  	v2 =	vld.idx.msk [tilespmem:v4+s17+$0x0], $0xffff;
	[tilespmem:s25+$0x30] =	vst v6  }
0x40: {  	s28 =	sadd.s32 $0x80, s28;
	v4 =	vld.idx.msk [tilespmem:v7+s17+$0x0], $0xffff;
	[tilespmem:s25+$0xFFFFFFD0] =	vst v8  }
0x41: {  	[tilespmem:s25+$0xFFFFFFE0] =	vst v5  }
0x42: {  	[tilespmem:s25+$0xFFFFFFF0] =	vst v3  }
0x43: {  	[tilespmem:s25+$0x0] =	vst v0  }
0x44: {  	[tilespmem:s25+$0x10] =	vst v1  }
0x45: {  	[tilespmem:s25+$0x20] =	vst v2  }
0x46: {  	[tilespmem:s25+$0xFFFFFFC0] =	vst v4  }
0x47: {  	_ =	strace $0x90000049  }
0x48: {  	[hbm4b:s5+s15] =	stream.strided.scatter [tilespmem:s20], [sflag:$0x3], $0x1000, s16, s15, $0x38;
	[tilespmem:$0x1E700] =	vst v63  }
0x49: {  	s31 =	simm.s32 $0x1070;
	_ =	strace $0x8000004A  }
0x4a: {  	v0 =	vld [tilespmem:s31+$0x0]  }
0x4b: {  	v1 =	vld [tilespmem:s31+$0xFFFFFFA0]  }
0x4c: {  	v2 =	vld [tilespmem:s31+$0xFFFFFFB0]  }
0x4d: {  	v3 =	vld [tilespmem:s31+$0xFFFFFFC0]  }
0x4e: {  	v4 =	vld [tilespmem:s31+$0xFFFFFFD0]  }
0x4f: {  	v6 =	vld [tilespmem:s31+$0xFFFFFFE0]  }
0x50: {  	v7 =	vld [tilespmem:s31+$0xFFFFFFF0]  }
0x51: {  	v8 =	vld [tilespmem:s31+$0xFFFFFF90]  }
0x52: {  	v9 =	vld.idx.msk [tilespmem:v0+s17+$0x0], $0xffff  }
0x53: {  	v10 =	vld.idx.msk [tilespmem:v1+s17+$0x0], $0xffff  }
0x54: {  	v5 =	vld.idx.msk [tilespmem:v2+s17+$0x0], $0xffff  }
0x55: {  	v3 =	vld.idx.msk [tilespmem:v3+s17+$0x0], $0xffff  }
0x56: {  	v0 =	vld.idx.msk [tilespmem:v4+s17+$0x0], $0xffff  }
0x57: {  	s25 =	simm.s32 $0x1D740;
	v1 =	vld.idx.msk [tilespmem:v6+s17+$0x0], $0xffff  }
0x58: {  	v2 =	vld.idx.msk [tilespmem:v7+s17+$0x0], $0xffff;
	[tilespmem:s25+$0x30] =	vst v9  }
0x59: {  	s26 =	simm.s32 $0x0;
	s28 =	simm.s32 $0x10F0;
	v4 =	vld.idx.msk [tilespmem:v8+s17+$0x0], $0xffff;
	[tilespmem:s25+$0xFFFFFFD0] =	vst v10  }
.LBB2_4:
0x5a: {  	v6 =	vld [tilespmem:s28+$0x0];
	s26 =	sadd.s32 $0x8, s26;
	[tilespmem:s25+$0xFFFFFFE0] =	vst v5  }
0x5b: {  	v5 =	vld [tilespmem:s28+$0xFFFFFFA0];
	p0 =	slt.u32 s26, $0xF8;
	[tilespmem:s25+$0xFFFFFFF0] =	vst v3  }
0x5c: {  	v3 =	vld [tilespmem:s28+$0xFFFFFFB0];
	[tilespmem:s25+$0x0] =	vst v0  }
0x5d: {  	v0 =	vld [tilespmem:s28+$0xFFFFFFC0];
	[tilespmem:s25+$0x10] =	vst v1  }
0x5e: {  	v1 =	vld [tilespmem:s28+$0xFFFFFFD0];
	[tilespmem:s25+$0x20] =	vst v2  }
0x5f: {  	v2 =	vld [tilespmem:s28+$0xFFFFFFE0];
	[tilespmem:s25+$0xFFFFFFC0] =	vst v4  }
0x60: {  	v4 =	vld [tilespmem:s28+$0xFFFFFFF0]  }
0x61: {  	v7 =	vld [tilespmem:s28+$0xFFFFFF90]  }
0x62: {  	v6 =	vld.idx.msk [tilespmem:v6+s17+$0x0], $0xffff  }
0x63: {  	v8 =	vld.idx.msk [tilespmem:v5+s17+$0x0], $0xffff  }
0x64: {  	v5 =	vld.idx.msk [tilespmem:v3+s17+$0x0], $0xffff  }
.Ltmp1:
0x65: {  	v3 =	vld.idx.msk [tilespmem:v0+s17+$0x0], $0xffff;
	(pc) =	sbr.rel @p0 .LBB2_4-.Ltmp1, $4  }
0x66: {  	v0 =	vld.idx.msk [tilespmem:v1+s17+$0x0], $0xffff  }
0x67: {  	s25 =	sadd.s32 $0x80, s25;
	v1 =	vld.idx.msk [tilespmem:v2+s17+$0x0], $0xffff  }
0x68: {  	v2 =	vld.idx.msk [tilespmem:v4+s17+$0x0], $0xffff;
	[tilespmem:s25+$0x30] =	vst v6  }
0x69: {  	s28 =	sadd.s32 $0x80, s28;
	v4 =	vld.idx.msk [tilespmem:v7+s17+$0x0], $0xffff;
	[tilespmem:s25+$0xFFFFFFD0] =	vst v8  }
0x6a: {  	[tilespmem:s25+$0xFFFFFFE0] =	vst v5  }
0x6b: {  	[tilespmem:s25+$0xFFFFFFF0] =	vst v3  }
0x6c: {  	[tilespmem:s25+$0x0] =	vst v0  }
0x6d: {  	[tilespmem:s25+$0x10] =	vst v1  }
0x6e: {  	[tilespmem:s25+$0x20] =	vst v2  }
0x6f: {  	[tilespmem:s25+$0xFFFFFFC0] =	vst v4  }
0x70: {  	_ =	strace $0x9000004A  }
0x71: {  	[hbm4b:s6+s15] =	stream.strided.scatter [tilespmem:s21], [sflag:$0x4], $0x1000, s16, s15, $0x38;
	[tilespmem:$0x1E700] =	vst v63  }
0x72: {  	_ =	swait.ge [sflag:s22], $0x1000  }
0x73: {  	[sflag:s22] =	ssyncset.done $0x0  }
0x74: {  	[sflag:s22] =	ssyncadd.s32 $0xFFFFF000  }
0x75: {  	s31 =	simm.s32 $0x2070;
	_ =	strace $0x8000004B  }
0x76: {  	v0 =	vld [tilespmem:s31+$0x0]  }
0x77: {  	v1 =	vld [tilespmem:s31+$0xFFFFFFA0]  }
0x78: {  	v2 =	vld [tilespmem:s31+$0xFFFFFFB0]  }
0x79: {  	v3 =	vld [tilespmem:s31+$0xFFFFFFC0]  }
0x7a: {  	v4 =	vld [tilespmem:s31+$0xFFFFFFD0]  }
0x7b: {  	v6 =	vld [tilespmem:s31+$0xFFFFFFE0]  }
0x7c: {  	v7 =	vld [tilespmem:s31+$0xFFFFFFF0]  }
0x7d: {  	v8 =	vld [tilespmem:s31+$0xFFFFFF90]  }
0x7e: {  	v9 =	vld.idx.msk [tilespmem:v0+s17+$0x0], $0xffff  }
0x7f: {  	v10 =	vld.idx.msk [tilespmem:v1+s17+$0x0], $0xffff  }
0x80: {  	v5 =	vld.idx.msk [tilespmem:v2+s17+$0x0], $0xffff  }
0x81: {  	v3 =	vld.idx.msk [tilespmem:v3+s17+$0x0], $0xffff  }
0x82: {  	v0 =	vld.idx.msk [tilespmem:v4+s17+$0x0], $0xffff  }
0x83: {  	s25 =	simm.s32 $0x1C740;
	v1 =	vld.idx.msk [tilespmem:v6+s17+$0x0], $0xffff  }
0x84: {  	v2 =	vld.idx.msk [tilespmem:v7+s17+$0x0], $0xffff;
	[tilespmem:s25+$0x30] =	vst v9  }
0x85: {  	s26 =	simm.s32 $0x0;
	s28 =	simm.s32 $0x20F0;
	v4 =	vld.idx.msk [tilespmem:v8+s17+$0x0], $0xffff;
	[tilespmem:s25+$0xFFFFFFD0] =	vst v10  }
.LBB2_6:
0x86: {  	v6 =	vld [tilespmem:s28+$0x0];
	s26 =	sadd.s32 $0x8, s26;
	[tilespmem:s25+$0xFFFFFFE0] =	vst v5  }
0x87: {  	v5 =	vld [tilespmem:s28+$0xFFFFFFA0];
	p0 =	slt.u32 s26, $0xF8;
	[tilespmem:s25+$0xFFFFFFF0] =	vst v3  }
0x88: {  	v3 =	vld [tilespmem:s28+$0xFFFFFFB0];
	[tilespmem:s25+$0x0] =	vst v0  }
0x89: {  	v0 =	vld [tilespmem:s28+$0xFFFFFFC0];
	[tilespmem:s25+$0x10] =	vst v1  }
0x8a: {  	v1 =	vld [tilespmem:s28+$0xFFFFFFD0];
	[tilespmem:s25+$0x20] =	vst v2  }
0x8b: {  	v2 =	vld [tilespmem:s28+$0xFFFFFFE0];
	[tilespmem:s25+$0xFFFFFFC0] =	vst v4  }
0x8c: {  	v4 =	vld [tilespmem:s28+$0xFFFFFFF0]  }
0x8d: {  	v7 =	vld [tilespmem:s28+$0xFFFFFF90]  }
0x8e: {  	v6 =	vld.idx.msk [tilespmem:v6+s17+$0x0], $0xffff  }
0x8f: {  	v8 =	vld.idx.msk [tilespmem:v5+s17+$0x0], $0xffff  }
0x90: {  	v5 =	vld.idx.msk [tilespmem:v3+s17+$0x0], $0xffff  }
.Ltmp2:
0x91: {  	v3 =	vld.idx.msk [tilespmem:v0+s17+$0x0], $0xffff;
	(pc) =	sbr.rel @p0 .LBB2_6-.Ltmp2, $4  }
0x92: {  	v0 =	vld.idx.msk [tilespmem:v1+s17+$0x0], $0xffff  }
0x93: {  	s25 =	sadd.s32 $0x80, s25;
	v1 =	vld.idx.msk [tilespmem:v2+s17+$0x0], $0xffff  }
0x94: {  	v2 =	vld.idx.msk [tilespmem:v4+s17+$0x0], $0xffff;
	[tilespmem:s25+$0x30] =	vst v6  }
0x95: {  	s28 =	sadd.s32 $0x80, s28;
	v4 =	vld.idx.msk [tilespmem:v7+s17+$0x0], $0xffff;
	[tilespmem:s25+$0xFFFFFFD0] =	vst v8  }
0x96: {  	[tilespmem:s25+$0xFFFFFFE0] =	vst v5  }
0x97: {  	[tilespmem:s25+$0xFFFFFFF0] =	vst v3  }
0x98: {  	[tilespmem:s25+$0x0] =	vst v0  }
0x99: {  	[tilespmem:s25+$0x10] =	vst v1  }
0x9a: {  	[tilespmem:s25+$0x20] =	vst v2  }
0x9b: {  	[tilespmem:s25+$0xFFFFFFC0] =	vst v4  }
0x9c: {  	_ =	strace $0x9000004B  }
0x9d: {  	[hbm4b:s7+s15] =	stream.strided.scatter [tilespmem:s20], [sflag:$0x3], $0x1000, s16, s15, $0x38;
	[tilespmem:$0x1E700] =	vst v63  }
0x9e: {  	_ =	swait.ge [sflag:s23], $0x1000  }
0x9f: {  	[sflag:s23] =	ssyncset.done $0x0  }
0xa0: {  	[sflag:s23] =	ssyncadd.s32 $0xFFFFF000  }
0xa1: {  	s31 =	simm.s32 $0x3070;
	_ =	strace $0x8000004C  }
0xa2: {  	v0 =	vld [tilespmem:s31+$0x0]  }
0xa3: {  	v1 =	vld [tilespmem:s31+$0xFFFFFFA0]  }
0xa4: {  	v2 =	vld [tilespmem:s31+$0xFFFFFFB0]  }
0xa5: {  	v3 =	vld [tilespmem:s31+$0xFFFFFFC0]  }
0xa6: {  	v4 =	vld [tilespmem:s31+$0xFFFFFFD0]  }
0xa7: {  	v6 =	vld [tilespmem:s31+$0xFFFFFFE0]  }
0xa8: {  	v7 =	vld [tilespmem:s31+$0xFFFFFFF0]  }
0xa9: {  	v8 =	vld [tilespmem:s31+$0xFFFFFF90]  }
0xaa: {  	v9 =	vld.idx.msk [tilespmem:v0+s17+$0x0], $0xffff  }
0xab: {  	v10 =	vld.idx.msk [tilespmem:v1+s17+$0x0], $0xffff  }
0xac: {  	v5 =	vld.idx.msk [tilespmem:v2+s17+$0x0], $0xffff  }
0xad: {  	v3 =	vld.idx.msk [tilespmem:v3+s17+$0x0], $0xffff  }
0xae: {  	v0 =	vld.idx.msk [tilespmem:v4+s17+$0x0], $0xffff  }
0xaf: {  	s25 =	simm.s32 $0x1D740;
	v1 =	vld.idx.msk [tilespmem:v6+s17+$0x0], $0xffff  }
0xb0: {  	v2 =	vld.idx.msk [tilespmem:v7+s17+$0x0], $0xffff;
	[tilespmem:s25+$0x30] =	vst v9  }
0xb1: {  	s26 =	simm.s32 $0x0;
	s28 =	simm.s32 $0x30F0;
	v4 =	vld.idx.msk [tilespmem:v8+s17+$0x0], $0xffff;
	[tilespmem:s25+$0xFFFFFFD0] =	vst v10  }
.LBB2_8:
0xb2: {  	v6 =	vld [tilespmem:s28+$0x0];
	s26 =	sadd.s32 $0x8, s26;
	[tilespmem:s25+$0xFFFFFFE0] =	vst v5  }
0xb3: {  	v5 =	vld [tilespmem:s28+$0xFFFFFFA0];
	p0 =	slt.u32 s26, $0xF8;
	[tilespmem:s25+$0xFFFFFFF0] =	vst v3  }
0xb4: {  	v3 =	vld [tilespmem:s28+$0xFFFFFFB0];
	[tilespmem:s25+$0x0] =	vst v0  }
0xb5: {  	v0 =	vld [tilespmem:s28+$0xFFFFFFC0];
	[tilespmem:s25+$0x10] =	vst v1  }
0xb6: {  	v1 =	vld [tilespmem:s28+$0xFFFFFFD0];
	[tilespmem:s25+$0x20] =	vst v2  }
0xb7: {  	v2 =	vld [tilespmem:s28+$0xFFFFFFE0];
	[tilespmem:s25+$0xFFFFFFC0] =	vst v4  }
0xb8: {  	v4 =	vld [tilespmem:s28+$0xFFFFFFF0]  }
0xb9: {  	v7 =	vld [tilespmem:s28+$0xFFFFFF90]  }
0xba: {  	v6 =	vld.idx.msk [tilespmem:v6+s17+$0x0], $0xffff  }
0xbb: {  	v8 =	vld.idx.msk [tilespmem:v5+s17+$0x0], $0xffff  }
0xbc: {  	v5 =	vld.idx.msk [tilespmem:v3+s17+$0x0], $0xffff  }
.Ltmp3:
0xbd: {  	v3 =	vld.idx.msk [tilespmem:v0+s17+$0x0], $0xffff;
	(pc) =	sbr.rel @p0 .LBB2_8-.Ltmp3, $4  }
0xbe: {  	v0 =	vld.idx.msk [tilespmem:v1+s17+$0x0], $0xffff  }
0xbf: {  	s25 =	sadd.s32 $0x80, s25;
	v1 =	vld.idx.msk [tilespmem:v2+s17+$0x0], $0xffff  }
0xc0: {  	v2 =	vld.idx.msk [tilespmem:v4+s17+$0x0], $0xffff;
	[tilespmem:s25+$0x30] =	vst v6  }
0xc1: {  	s28 =	sadd.s32 $0x80, s28;
	v4 =	vld.idx.msk [tilespmem:v7+s17+$0x0], $0xffff;
	[tilespmem:s25+$0xFFFFFFD0] =	vst v8  }
0xc2: {  	[tilespmem:s25+$0xFFFFFFE0] =	vst v5  }
0xc3: {  	[tilespmem:s25+$0xFFFFFFF0] =	vst v3  }
0xc4: {  	[tilespmem:s25+$0x0] =	vst v0  }
0xc5: {  	[tilespmem:s25+$0x10] =	vst v1  }
0xc6: {  	[tilespmem:s25+$0x20] =	vst v2  }
0xc7: {  	[tilespmem:s25+$0xFFFFFFC0] =	vst v4  }
0xc8: {  	_ =	strace $0x9000004C  }
0xc9: {  	[hbm4b:s8+s15] =	stream.strided.scatter [tilespmem:s21], [sflag:$0x4], $0x1000, s16, s15, $0x38;
	[tilespmem:$0x1E700] =	vst v63  }
0xca: {  	_ =	strace $0x8000004D  }
0xcb: {  	[tilespmem:s17], [sflag:$0x2] =	stream.strided.gather [hbm4b:s9+s15], $0x18700, s16, s15, $0x200038;
	[tilespmem:$0x1E700] =	vst v63  }
0xcc: {  	_ =	swait.ge [sflag:s19], $0x18700  }
0xcd: {  	[sflag:s19] =	ssyncset.done $0x0  }
0xce: {  	[sflag:s19] =	ssyncadd.s32 $0xFFFE7900  }
0xcf: {  	_ =	strace $0x9000004D  }
0xd0: {  	_ =	swait.ge [sflag:s22], $0x1000  }
0xd1: {  	[sflag:s22] =	ssyncset.done $0x0  }
0xd2: {  	[sflag:s22] =	ssyncadd.s32 $0xFFFFF000  }
0xd3: {  	s31 =	simm.s32 $0x40;
	_ =	strace $0x8000004E  }
0xd4: {  	v0 =	vld [tilespmem:s31+$0x30]  }
0xd5: {  	v1 =	vld [tilespmem:s31+$0xFFFFFFD0]  }
0xd6: {  	v2 =	vld [tilespmem:s31+$0xFFFFFFE0]  }
0xd7: {  	v3 =	vld [tilespmem:s31+$0xFFFFFFF0]  }
0xd8: {  	v4 =	vld [tilespmem:s31+$0x0]  }
0xd9: {  	v6 =	vld [tilespmem:s31+$0x10]  }
0xda: {  	v7 =	vld [tilespmem:s31+$0x20]  }
0xdb: {  	v8 =	vld [tilespmem:s31+$0xFFFFFFC0]  }
0xdc: {  	v9 =	vld.idx.msk [tilespmem:v0+s17+$0x0], $0xffff  }
0xdd: {  	v10 =	vld.idx.msk [tilespmem:v1+s17+$0x0], $0xffff  }
0xde: {  	v5 =	vld.idx.msk [tilespmem:v2+s17+$0x0], $0xffff  }
0xdf: {  	v3 =	vld.idx.msk [tilespmem:v3+s17+$0x0], $0xffff  }
0xe0: {  	v0 =	vld.idx.msk [tilespmem:v4+s17+$0x0], $0xffff  }
0xe1: {  	s25 =	simm.s32 $0x1C740;
	v1 =	vld.idx.msk [tilespmem:v6+s17+$0x0], $0xffff  }
0xe2: {  	v2 =	vld.idx.msk [tilespmem:v7+s17+$0x0], $0xffff;
	[tilespmem:s25+$0x30] =	vst v9  }
0xe3: {  	s26 =	simm.s32 $0x0;
	s28 =	simm.s32 $0xC0;
	v4 =	vld.idx.msk [tilespmem:v8+s17+$0x0], $0xffff;
	[tilespmem:s25+$0xFFFFFFD0] =	vst v10  }
.LBB2_10:
0xe4: {  	v6 =	vld [tilespmem:s28+$0x30];
	s26 =	sadd.s32 $0x8, s26;
	[tilespmem:s25+$0xFFFFFFE0] =	vst v5  }
0xe5: {  	v5 =	vld [tilespmem:s28+$0xFFFFFFD0];
	p0 =	slt.u32 s26, $0xF8;
	[tilespmem:s25+$0xFFFFFFF0] =	vst v3  }
0xe6: {  	v3 =	vld [tilespmem:s28+$0xFFFFFFE0];
	[tilespmem:s25+$0x0] =	vst v0  }
0xe7: {  	v0 =	vld [tilespmem:s28+$0xFFFFFFF0];
	[tilespmem:s25+$0x10] =	vst v1  }
0xe8: {  	v1 =	vld [tilespmem:s28+$0x0];
	[tilespmem:s25+$0x20] =	vst v2  }
0xe9: {  	v2 =	vld [tilespmem:s28+$0x10];
	[tilespmem:s25+$0xFFFFFFC0] =	vst v4  }
0xea: {  	v4 =	vld [tilespmem:s28+$0x20]  }
0xeb: {  	v7 =	vld [tilespmem:s28+$0xFFFFFFC0]  }
0xec: {  	v6 =	vld.idx.msk [tilespmem:v6+s17+$0x0], $0xffff  }
0xed: {  	v8 =	vld.idx.msk [tilespmem:v5+s17+$0x0], $0xffff  }
0xee: {  	v5 =	vld.idx.msk [tilespmem:v3+s17+$0x0], $0xffff  }
.Ltmp4:
0xef: {  	v3 =	vld.idx.msk [tilespmem:v0+s17+$0x0], $0xffff;
	(pc) =	sbr.rel @p0 .LBB2_10-.Ltmp4, $4  }
0xf0: {  	v0 =	vld.idx.msk [tilespmem:v1+s17+$0x0], $0xffff  }
0xf1: {  	s25 =	sadd.s32 $0x80, s25;
	v1 =	vld.idx.msk [tilespmem:v2+s17+$0x0], $0xffff  }
0xf2: {  	v2 =	vld.idx.msk [tilespmem:v4+s17+$0x0], $0xffff;
	[tilespmem:s25+$0x30] =	vst v6  }
0xf3: {  	s28 =	sadd.s32 $0x80, s28;
	v4 =	vld.idx.msk [tilespmem:v7+s17+$0x0], $0xffff;
	[tilespmem:s25+$0xFFFFFFD0] =	vst v8  }
0xf4: {  	[tilespmem:s25+$0xFFFFFFE0] =	vst v5  }
0xf5: {  	[tilespmem:s25+$0xFFFFFFF0] =	vst v3  }
0xf6: {  	[tilespmem:s25+$0x0] =	vst v0  }
0xf7: {  	[tilespmem:s25+$0x10] =	vst v1  }
0xf8: {  	[tilespmem:s25+$0x20] =	vst v2  }
0xf9: {  	[tilespmem:s25+$0xFFFFFFC0] =	vst v4  }
0xfa: {  	_ =	strace $0x9000004E  }
0xfb: {  	[hbm4b:s10+s15] =	stream.strided.scatter [tilespmem:s20], [sflag:$0x3], $0x1000, s16, s15, $0x38;
	[tilespmem:$0x1E700] =	vst v63  }
0xfc: {  	_ =	swait.ge [sflag:s23], $0x1000  }
0xfd: {  	[sflag:s23] =	ssyncset.done $0x0  }
0xfe: {  	[sflag:s23] =	ssyncadd.s32 $0xFFFFF000  }
0xff: {  	s31 =	simm.s32 $0x1070;
	_ =	strace $0x8000004F  }
0x100: {  	v0 =	vld [tilespmem:s31+$0x0]  }
0x101: {  	v1 =	vld [tilespmem:s31+$0xFFFFFFA0]  }
0x102: {  	v2 =	vld [tilespmem:s31+$0xFFFFFFB0]  }
0x103: {  	v3 =	vld [tilespmem:s31+$0xFFFFFFC0]  }
0x104: {  	v4 =	vld [tilespmem:s31+$0xFFFFFFD0]  }
0x105: {  	v6 =	vld [tilespmem:s31+$0xFFFFFFE0]  }
0x106: {  	v7 =	vld [tilespmem:s31+$0xFFFFFFF0]  }
0x107: {  	v8 =	vld [tilespmem:s31+$0xFFFFFF90]  }
0x108: {  	v9 =	vld.idx.msk [tilespmem:v0+s17+$0x0], $0xffff  }
0x109: {  	v10 =	vld.idx.msk [tilespmem:v1+s17+$0x0], $0xffff  }
0x10a: {  	v5 =	vld.idx.msk [tilespmem:v2+s17+$0x0], $0xffff  }
0x10b: {  	v3 =	vld.idx.msk [tilespmem:v3+s17+$0x0], $0xffff  }
0x10c: {  	v0 =	vld.idx.msk [tilespmem:v4+s17+$0x0], $0xffff  }
0x10d: {  	s25 =	simm.s32 $0x1D740;
	v1 =	vld.idx.msk [tilespmem:v6+s17+$0x0], $0xffff  }
0x10e: {  	v2 =	vld.idx.msk [tilespmem:v7+s17+$0x0], $0xffff;
	[tilespmem:s25+$0x30] =	vst v9  }
0x10f: {  	s26 =	simm.s32 $0x0;
	s28 =	simm.s32 $0x10F0;
	v4 =	vld.idx.msk [tilespmem:v8+s17+$0x0], $0xffff;
	[tilespmem:s25+$0xFFFFFFD0] =	vst v10  }
.LBB2_12:
0x110: {  	v6 =	vld [tilespmem:s28+$0x0];
	s26 =	sadd.s32 $0x8, s26;
	[tilespmem:s25+$0xFFFFFFE0] =	vst v5  }
0x111: {  	v5 =	vld [tilespmem:s28+$0xFFFFFFA0];
	p0 =	slt.u32 s26, $0xF8;
	[tilespmem:s25+$0xFFFFFFF0] =	vst v3  }
0x112: {  	v3 =	vld [tilespmem:s28+$0xFFFFFFB0];
	[tilespmem:s25+$0x0] =	vst v0  }
0x113: {  	v0 =	vld [tilespmem:s28+$0xFFFFFFC0];
	[tilespmem:s25+$0x10] =	vst v1  }
0x114: {  	v1 =	vld [tilespmem:s28+$0xFFFFFFD0];
	[tilespmem:s25+$0x20] =	vst v2  }
0x115: {  	v2 =	vld [tilespmem:s28+$0xFFFFFFE0];
	[tilespmem:s25+$0xFFFFFFC0] =	vst v4  }
0x116: {  	v4 =	vld [tilespmem:s28+$0xFFFFFFF0]  }
0x117: {  	v7 =	vld [tilespmem:s28+$0xFFFFFF90]  }
0x118: {  	v6 =	vld.idx.msk [tilespmem:v6+s17+$0x0], $0xffff  }
0x119: {  	v8 =	vld.idx.msk [tilespmem:v5+s17+$0x0], $0xffff  }
0x11a: {  	v5 =	vld.idx.msk [tilespmem:v3+s17+$0x0], $0xffff  }
.Ltmp5:
0x11b: {  	v3 =	vld.idx.msk [tilespmem:v0+s17+$0x0], $0xffff;
	(pc) =	sbr.rel @p0 .LBB2_12-.Ltmp5, $4  }
0x11c: {  	v0 =	vld.idx.msk [tilespmem:v1+s17+$0x0], $0xffff  }
0x11d: {  	s25 =	sadd.s32 $0x80, s25;
	v1 =	vld.idx.msk [tilespmem:v2+s17+$0x0], $0xffff  }
0x11e: {  	v2 =	vld.idx.msk [tilespmem:v4+s17+$0x0], $0xffff;
	[tilespmem:s25+$0x30] =	vst v6  }
0x11f: {  	s28 =	sadd.s32 $0x80, s28;
	v4 =	vld.idx.msk [tilespmem:v7+s17+$0x0], $0xffff;
	[tilespmem:s25+$0xFFFFFFD0] =	vst v8  }
0x120: {  	[tilespmem:s25+$0xFFFFFFE0] =	vst v5  }
0x121: {  	[tilespmem:s25+$0xFFFFFFF0] =	vst v3  }
0x122: {  	[tilespmem:s25+$0x0] =	vst v0  }
0x123: {  	[tilespmem:s25+$0x10] =	vst v1  }
0x124: {  	[tilespmem:s25+$0x20] =	vst v2  }
0x125: {  	[tilespmem:s25+$0xFFFFFFC0] =	vst v4  }
0x126: {  	_ =	strace $0x9000004F  }
0x127: {  	[hbm4b:s11+s15] =	stream.strided.scatter [tilespmem:s21], [sflag:$0x4], $0x1000, s16, s15, $0x38;
	[tilespmem:$0x1E700] =	vst v63  }
0x128: {  	_ =	swait.ge [sflag:s22], $0x1000  }
0x129: {  	[sflag:s22] =	ssyncset.done $0x0  }
0x12a: {  	[sflag:s22] =	ssyncadd.s32 $0xFFFFF000  }
0x12b: {  	s31 =	simm.s32 $0x2070;
	_ =	strace $0x80000050  }
0x12c: {  	v0 =	vld [tilespmem:s31+$0x0]  }
0x12d: {  	v1 =	vld [tilespmem:s31+$0xFFFFFFA0]  }
0x12e: {  	v2 =	vld [tilespmem:s31+$0xFFFFFFB0]  }
0x12f: {  	v3 =	vld [tilespmem:s31+$0xFFFFFFC0]  }
0x130: {  	v4 =	vld [tilespmem:s31+$0xFFFFFFD0]  }
0x131: {  	v6 =	vld [tilespmem:s31+$0xFFFFFFE0]  }
0x132: {  	v7 =	vld [tilespmem:s31+$0xFFFFFFF0]  }
0x133: {  	v8 =	vld [tilespmem:s31+$0xFFFFFF90]  }
0x134: {  	v9 =	vld.idx.msk [tilespmem:v0+s17+$0x0], $0xffff  }
0x135: {  	v10 =	vld.idx.msk [tilespmem:v1+s17+$0x0], $0xffff  }
0x136: {  	v5 =	vld.idx.msk [tilespmem:v2+s17+$0x0], $0xffff  }
0x137: {  	v3 =	vld.idx.msk [tilespmem:v3+s17+$0x0], $0xffff  }
0x138: {  	v0 =	vld.idx.msk [tilespmem:v4+s17+$0x0], $0xffff  }
0x139: {  	s25 =	simm.s32 $0x1C740;
	v1 =	vld.idx.msk [tilespmem:v6+s17+$0x0], $0xffff  }
0x13a: {  	v2 =	vld.idx.msk [tilespmem:v7+s17+$0x0], $0xffff;
	[tilespmem:s25+$0x30] =	vst v9  }
0x13b: {  	s26 =	simm.s32 $0x0;
	s28 =	simm.s32 $0x20F0;
	v4 =	vld.idx.msk [tilespmem:v8+s17+$0x0], $0xffff;
	[tilespmem:s25+$0xFFFFFFD0] =	vst v10  }
.LBB2_14:
0x13c: {  	v6 =	vld [tilespmem:s28+$0x0];
	s26 =	sadd.s32 $0x8, s26;
	[tilespmem:s25+$0xFFFFFFE0] =	vst v5  }
0x13d: {  	v5 =	vld [tilespmem:s28+$0xFFFFFFA0];
	p0 =	slt.u32 s26, $0xF8;
	[tilespmem:s25+$0xFFFFFFF0] =	vst v3  }
0x13e: {  	v3 =	vld [tilespmem:s28+$0xFFFFFFB0];
	[tilespmem:s25+$0x0] =	vst v0  }
0x13f: {  	v0 =	vld [tilespmem:s28+$0xFFFFFFC0];
	[tilespmem:s25+$0x10] =	vst v1  }
0x140: {  	v1 =	vld [tilespmem:s28+$0xFFFFFFD0];
	[tilespmem:s25+$0x20] =	vst v2  }
0x141: {  	v2 =	vld [tilespmem:s28+$0xFFFFFFE0];
	[tilespmem:s25+$0xFFFFFFC0] =	vst v4  }
0x142: {  	v4 =	vld [tilespmem:s28+$0xFFFFFFF0]  }
0x143: {  	v7 =	vld [tilespmem:s28+$0xFFFFFF90]  }
0x144: {  	v6 =	vld.idx.msk [tilespmem:v6+s17+$0x0], $0xffff  }
0x145: {  	v8 =	vld.idx.msk [tilespmem:v5+s17+$0x0], $0xffff  }
0x146: {  	v5 =	vld.idx.msk [tilespmem:v3+s17+$0x0], $0xffff  }
.Ltmp6:
0x147: {  	v3 =	vld.idx.msk [tilespmem:v0+s17+$0x0], $0xffff;
	(pc) =	sbr.rel @p0 .LBB2_14-.Ltmp6, $4  }
0x148: {  	v0 =	vld.idx.msk [tilespmem:v1+s17+$0x0], $0xffff  }
0x149: {  	s25 =	sadd.s32 $0x80, s25;
	v1 =	vld.idx.msk [tilespmem:v2+s17+$0x0], $0xffff  }
0x14a: {  	v2 =	vld.idx.msk [tilespmem:v4+s17+$0x0], $0xffff;
	[tilespmem:s25+$0x30] =	vst v6  }
0x14b: {  	s28 =	sadd.s32 $0x80, s28;
	v4 =	vld.idx.msk [tilespmem:v7+s17+$0x0], $0xffff;
	[tilespmem:s25+$0xFFFFFFD0] =	vst v8  }
0x14c: {  	[tilespmem:s25+$0xFFFFFFE0] =	vst v5  }
0x14d: {  	[tilespmem:s25+$0xFFFFFFF0] =	vst v3  }
0x14e: {  	[tilespmem:s25+$0x0] =	vst v0  }
0x14f: {  	[tilespmem:s25+$0x10] =	vst v1  }
0x150: {  	[tilespmem:s25+$0x20] =	vst v2  }
0x151: {  	[tilespmem:s25+$0xFFFFFFC0] =	vst v4  }
0x152: {  	_ =	strace $0x90000050  }
0x153: {  	[hbm4b:s12+s15] =	stream.strided.scatter [tilespmem:s20], [sflag:$0x3], $0x1000, s16, s15, $0x38;
	[tilespmem:$0x1E700] =	vst v63  }
0x154: {  	_ =	swait.ge [sflag:s23], $0x1000  }
0x155: {  	[sflag:s23] =	ssyncset.done $0x0  }
0x156: {  	[sflag:s23] =	ssyncadd.s32 $0xFFFFF000  }
0x157: {  	s31 =	simm.s32 $0x3070;
	_ =	strace $0x80000051  }
0x158: {  	v0 =	vld [tilespmem:s31+$0x0]  }
0x159: {  	v1 =	vld [tilespmem:s31+$0xFFFFFFA0]  }
0x15a: {  	v2 =	vld [tilespmem:s31+$0xFFFFFFB0]  }
0x15b: {  	v3 =	vld [tilespmem:s31+$0xFFFFFFC0]  }
0x15c: {  	v4 =	vld [tilespmem:s31+$0xFFFFFFD0]  }
0x15d: {  	v6 =	vld [tilespmem:s31+$0xFFFFFFE0]  }
0x15e: {  	v7 =	vld [tilespmem:s31+$0xFFFFFFF0]  }
0x15f: {  	v8 =	vld [tilespmem:s31+$0xFFFFFF90]  }
0x160: {  	v9 =	vld.idx.msk [tilespmem:v0+s17+$0x0], $0xffff  }
0x161: {  	v10 =	vld.idx.msk [tilespmem:v1+s17+$0x0], $0xffff  }
0x162: {  	v5 =	vld.idx.msk [tilespmem:v2+s17+$0x0], $0xffff  }
0x163: {  	v3 =	vld.idx.msk [tilespmem:v3+s17+$0x0], $0xffff  }
0x164: {  	v0 =	vld.idx.msk [tilespmem:v4+s17+$0x0], $0xffff  }
0x165: {  	s25 =	simm.s32 $0x1D740;
	v1 =	vld.idx.msk [tilespmem:v6+s17+$0x0], $0xffff  }
0x166: {  	v2 =	vld.idx.msk [tilespmem:v7+s17+$0x0], $0xffff;
	[tilespmem:s25+$0x30] =	vst v9  }
0x167: {  	s26 =	simm.s32 $0x0;
	s28 =	simm.s32 $0x30F0;
	v4 =	vld.idx.msk [tilespmem:v8+s17+$0x0], $0xffff;
	[tilespmem:s25+$0xFFFFFFD0] =	vst v10  }
.LBB2_16:
0x168: {  	v6 =	vld [tilespmem:s28+$0x0];
	s26 =	sadd.s32 $0x8, s26;
	[tilespmem:s25+$0xFFFFFFE0] =	vst v5  }
0x169: {  	v5 =	vld [tilespmem:s28+$0xFFFFFFA0];
	p0 =	slt.u32 s26, $0xF8;
	[tilespmem:s25+$0xFFFFFFF0] =	vst v3  }
0x16a: {  	v3 =	vld [tilespmem:s28+$0xFFFFFFB0];
	[tilespmem:s25+$0x0] =	vst v0  }
0x16b: {  	v0 =	vld [tilespmem:s28+$0xFFFFFFC0];
	[tilespmem:s25+$0x10] =	vst v1  }
0x16c: {  	v1 =	vld [tilespmem:s28+$0xFFFFFFD0];
	[tilespmem:s25+$0x20] =	vst v2  }
0x16d: {  	v2 =	vld [tilespmem:s28+$0xFFFFFFE0];
	[tilespmem:s25+$0xFFFFFFC0] =	vst v4  }
0x16e: {  	v4 =	vld [tilespmem:s28+$0xFFFFFFF0]  }
0x16f: {  	v7 =	vld [tilespmem:s28+$0xFFFFFF90]  }
0x170: {  	v6 =	vld.idx.msk [tilespmem:v6+s17+$0x0], $0xffff  }
0x171: {  	v8 =	vld.idx.msk [tilespmem:v5+s17+$0x0], $0xffff  }
0x172: {  	v5 =	vld.idx.msk [tilespmem:v3+s17+$0x0], $0xffff  }
.Ltmp7:
0x173: {  	v3 =	vld.idx.msk [tilespmem:v0+s17+$0x0], $0xffff;
	(pc) =	sbr.rel @p0 .LBB2_16-.Ltmp7, $4  }
0x174: {  	v0 =	vld.idx.msk [tilespmem:v1+s17+$0x0], $0xffff  }
0x175: {  	s25 =	sadd.s32 $0x80, s25;
	v1 =	vld.idx.msk [tilespmem:v2+s17+$0x0], $0xffff  }
0x176: {  	v2 =	vld.idx.msk [tilespmem:v4+s17+$0x0], $0xffff;
	[tilespmem:s25+$0x30] =	vst v6  }
0x177: {  	s28 =	sadd.s32 $0x80, s28;
	v4 =	vld.idx.msk [tilespmem:v7+s17+$0x0], $0xffff;
	[tilespmem:s25+$0xFFFFFFD0] =	vst v8  }
0x178: {  	[tilespmem:s25+$0xFFFFFFE0] =	vst v5  }
0x179: {  	[tilespmem:s25+$0xFFFFFFF0] =	vst v3  }
0x17a: {  	[tilespmem:s25+$0x0] =	vst v0  }
0x17b: {  	[tilespmem:s25+$0x10] =	vst v1  }
0x17c: {  	[tilespmem:s25+$0x20] =	vst v2  }
0x17d: {  	[tilespmem:s25+$0xFFFFFFC0] =	vst v4  }
0x17e: {  	s24 =	sadd.s32 $0x1, s24;
	_ =	strace $0x90000051  }
0x17f: {  	[hbm4b:s13+s15] =	stream.strided.scatter [tilespmem:s21], [sflag:$0x4], $0x1000, s16, s15, $0x38;
	[tilespmem:$0x1E700] =	vst v63  }
0x180: {  	p0 =	sne.s32 s24, s14;
	_ =	swait.ge [sflag:s22], $0x1000  }
.Ltmp8:
0x181: {  	[sflag:s22] =	ssyncset.done $0x0;
	(pc) =	sbr.rel @p0 .LBB2_1-.Ltmp8, $4  }
0x182: {  	[sflag:s22] =	ssyncadd.s32 $0xFFFFF000  }
0x183: {  	_ =	swait.ge [sflag:s23], $0x1000  }
0x184: {  	[sflag:s23] =	ssyncset.done $0x0  }
0x185: {  	[sflag:s23] =	ssyncadd.s32 $0xFFFFF000  }
0x186: {  	_ =	sfence.sel $0x180000  }
0x187: {  	[bflag:$0x0] =	sbarrier.arrive $0xFFFF  }
0x188: {  	p0 =	sne.s32 s2, $0x0;
	_ =	strace $0x90000047  }
0x189: {  	s0 =	sadd.s32 @!p0 $0x100000, s0;
	[bflag:$0x2] =	sbarrier.arrive $0xFFFF  }
0x18a: {  	[sflag:s0] =	ssyncadd.tile.s32 @!p0 $0x1;
	_ =	shalt  }
.Lfunc_end2:
_tile_overlayer_lowered:
.L_overlay_start_2:
0x18b: {  	(tag) =	ssettag $0x2  }
0x18c: {  	s0 =	rddreg [dreg:$0x0];
	s2 =	stileid.u32  }
0x18d: {  	s1 =	rddreg [dreg:$0x1];
	p0 =	sne.s32 s2, $0x0  }
0x18e: {  	s3 =	rddreg [dreg:$0x2];
	[bflag:$0x3] =	sbarrier.arrive $0xFFFF;
	s2 =	simm.s32 @!p0 $0x1C05  }
0x18f: {  	[timem:s3], [sflag:s2] =	dma.local @!p0 [hbm:s0], s1  }
0x190: {  	s0 =	simm.s32 @!p0 $0x5  }
0x191: {  	_ =	swait.ge @!p0 [sflag:s0], s1  }
0x192: {  	s1 =	ssub.s32 @!p0 $0x0, s1;
	[sflag:s0] =	ssyncset.done @!p0 $0x0  }
0x193: {  	[sflag:s0] =	ssyncadd.s32 @!p0 s1  }
0x194: {  	[bflag:$0x3] =	sbarrier.arrive $0xFFFF  }
0x195: {  	_ =	shalt  }

</sc_bundles>
